<compile_context>
chip_gen: v7x
topology: tpu7x:2x2x1
jax: 0.10.2.dev20260603
libtpu: 0.0.44.dev20260713+nightly
codegen_flags: <defaults>
</compile_context>

<pallas_src>
import functools

import jax
import jax.numpy as jnp
from jax import lax
from jax.experimental import pallas as pl
from jax.experimental.pallas import tpu as pltpu
from jax.experimental.pallas import tpu_sc as plsc

N = 10000
E = 320000
D = 128
H = 8
C = D // H
NE = 3

NC = 2
NS = 16
NW = NC * NS
CHUNK = 112
CPT = 90
NBUF = 2
EDGES_PER_TILE = CPT * CHUNK
EP = NW * EDGES_PER_TILE
WF = D + 2 * H
ROWS = 10016
RPT = ROWS // NS

BLK = 400
GRID = N // BLK


def _prep_body(x_ref, w0, w1, w2, s0, s1, s2, d0, d1, d2, sa_ref, sb_ref,
               hb0, hb1, hb2, hf0, hf1, hf2, as0, as1, as2, ad0, ad1, ad2):
    xb = x_ref[...]
    sa = sa_ref[...]
    sbm = sb_ref[...]
    ws = (w0, w1, w2)
    ss = (s0, s1, s2)
    ds = (d0, d1, d2)
    hb_o = (hb0, hb1, hb2)
    hf_o = (hf0, hf1, hf2)
    as_o = (as0, as1, as2)
    ad_o = (ad0, ad1, ad2)
    z8 = jnp.zeros((xb.shape[0], H), jnp.float32)
    for t in range(NE):
        h = jnp.dot(xb, ws[t][...], preferred_element_type=jnp.float32)
        a_s = jnp.dot(h, ss[t][...], preferred_element_type=jnp.float32)
        a_d = jnp.dot(h, ds[t][...], preferred_element_type=jnp.float32)
        ha = jnp.dot(h, sa, preferred_element_type=jnp.float32)
        hbv = jnp.dot(h, sbm, preferred_element_type=jnp.float32)
        ba = lax.bitcast_convert_type(
            ha.astype(jnp.bfloat16).astype(jnp.float32), jnp.int32)
        bb = lax.bitcast_convert_type(
            hbv.astype(jnp.bfloat16).astype(jnp.float32), jnp.int32)
        hb_o[t][...] = (lax.shift_right_logical(ba, 16)
                        | (bb & jnp.int32(-65536)))
        hf_o[t][...] = h
        as_o[t][...] = jnp.concatenate([a_s, z8], axis=1)
        ad_o[t][...] = jnp.concatenate([a_d, z8], axis=1)


_prep = pl.pallas_call(
    _prep_body,
    grid=(GRID,),
    in_specs=[pl.BlockSpec((BLK, D), lambda i: (i, 0))]
    + [pl.BlockSpec((D, D), lambda i: (0, 0))] * 3
    + [pl.BlockSpec((D, H), lambda i: (0, 0))] * 6
    + [pl.BlockSpec((D, D // 2), lambda i: (0, 0))] * 2,
    out_specs=[pl.BlockSpec((BLK, D // 2), lambda i: (i, 0))] * 3
    + [pl.BlockSpec((BLK, D), lambda i: (i, 0))] * 3
    + [pl.BlockSpec((BLK, 2 * H), lambda i: (i, 0))] * 6,
    out_shape=[jax.ShapeDtypeStruct((N, D // 2), jnp.int32)] * 3
    + [jax.ShapeDtypeStruct((N, D), jnp.float32)] * 3
    + [jax.ShapeDtypeStruct((N, 2 * H), jnp.float32)] * 6,
)


def _sc_body(hbf0, hbf1, hbf2, ast0, ast1, ast2, adt0, adt1, adt2,
             ids0, ids1, ids2, zrows,
             out, idxb, hb0, hb1, sb0, sb1, ab0, ab1, mbuf,
             acc, semh0, semh1, sems0, sems1, sema0, sema1):
    cid = lax.axis_index("c")
    sid = lax.axis_index("s")
    hbfs = (hbf0, hbf1, hbf2)
    asts = (ast0, ast1, ast2)
    adts = (adt0, adt1, adt2)
    ids = (ids0, ids1, ids2)
    hbufs = (hb0, hb1)
    sbufs = (sb0, sb1)
    abufs = (ab0, ab1)
    semh = (semh0, semh1)
    sems = (sems0, sems1)
    sema = (sema0, sema1)
    tb = (cid * NS + sid) * CPT

    for t in range(NE):
        pltpu.sync_copy(zrows, acc.at[pl.ds(sid * RPT, RPT)])
        plsc.subcore_barrier()

        for b in range(NBUF):
            pltpu.sync_copy(ids[t].at[tb + b], idxb.at[b])

        def outer(g, _, t=t):
            for b in range(NBUF):
                c = g * NBUF + b
                hb = hbufs[b]
                sb = sbufs[b]
                ab = abufs[b]
                if False:
                    pltpu.make_async_copy(hbfs[t].at[idxb.at[b, 0]],
                                          hb, semh[b]).wait()
                    pltpu.make_async_copy(asts[t].at[idxb.at[b, 0]],
                                          sb, sems[b]).wait()
                    pltpu.make_async_copy(adts[t].at[idxb.at[b, 1]],
                                          ab, sema[b]).wait()

                def edge_body(k, _, hb=hb, sb=sb, ab=ab):
                    asv = sb[k, pl.ds(0, 2 * H)]
                    mbuf[k, pl.ds(D, 2 * H)] = asv
                    return 0

                lax.fori_loop(0, CHUNK, edge_body, 0, unroll=4)
            return 0

        lax.fori_loop(0, CPT // NBUF, outer, 0)
        plsc.subcore_barrier()
        pltpu.sync_copy(acc.at[pl.ds(sid * RPT, RPT)],
                        out.at[t, cid, pl.ds(sid * RPT, RPT)])
        plsc.subcore_barrier()


_sc_edge = pl.kernel(
    _sc_body,
    out_type=jax.ShapeDtypeStruct((NE, NC, ROWS, WF), jnp.float32),
    mesh=plsc.VectorSubcoreMesh(core_axis_name="c", subcore_axis_name="s"),
    scratch_types=[
        pltpu.VMEM((NBUF, 2, CHUNK), jnp.int32),
        pltpu.VMEM((CHUNK, D // 2), jnp.int32),
        pltpu.VMEM((CHUNK, D // 2), jnp.int32),
        pltpu.VMEM((CHUNK, 2 * H), jnp.float32),
        pltpu.VMEM((CHUNK, 2 * H), jnp.float32),
        pltpu.VMEM((CHUNK, 2 * H), jnp.float32),
        pltpu.VMEM((CHUNK, 2 * H), jnp.float32),
        pltpu.VMEM((CHUNK, WF), jnp.float32),
        pltpu.VMEM_SHARED((ROWS, WF), jnp.float32),
    ] + [pltpu.SemaphoreType.DMA] * 6,
    compiler_params=pltpu.CompilerParams(use_tc_tiling_on_sc=False,
                                         needs_layout_passes=False),
)


def _combine_body(acc_ref, hf0, hf1, hf2, as0, as1, as2, ad0, ad1, ad2,
                  b0, b1, b2, exp8_ref, attw_ref, attb_ref, out_ref):
    exp8 = exp8_ref[...]
    attw = attw_ref[...]
    accv = acc_ref[...]
    hfs = (hf0, hf1, hf2)
    ast = (as0, as1, as2)
    adt = (ad0, ad1, ad2)
    bs = (b0, b1, b2)
    res = jnp.zeros((BLK, D), jnp.float32)
    for t in range(NE):
        m = accv[t, 0, :, :D] + accv[t, 1, :, :D]
        den = accv[t, 0, :, D:D + H] + accv[t, 1, :, D:D + H]
        h = hfs[t][...]
        a_s = ast[t][...][:, :H]
        a_d = adt[t][...][:, :H]
        e = a_s + a_d
        e = jnp.where(e > 0, e, e * jnp.float32(0.2))
        wself = jnp.exp(e)
        den_t = den + wself
        wx = jnp.dot(wself, exp8, preferred_element_type=jnp.float32)
        m_t = m + wx * h
        dfull = jnp.dot(den_t, exp8, preferred_element_type=jnp.float32)
        o = m_t / (dfull + jnp.float32(1e-16)) + bs[t][...]
        att = jnp.sum(o * attw, axis=1, keepdims=True) + attb_ref[...]
        res = res + att * o
    out_ref[...] = res


_combine = pl.pallas_call(
    _combine_body,
    grid=(GRID,),
    in_specs=[pl.BlockSpec((NE, NC, BLK, WF), lambda i: (0, 0, i, 0))]
    + [pl.BlockSpec((BLK, D), lambda i: (i, 0))] * 3
    + [pl.BlockSpec((BLK, 2 * H), lambda i: (i, 0))] * 6
    + [pl.BlockSpec((1, D), lambda i: (0, 0))] * 3
    + [pl.BlockSpec((H, D), lambda i: (0, 0)),
       pl.BlockSpec((1, D), lambda i: (0, 0)),
       pl.BlockSpec((1, 1), lambda i: (0, 0))],
    out_specs=pl.BlockSpec((BLK, D), lambda i: (i, 0)),
    out_shape=jax.ShapeDtypeStruct((N, D), jnp.float32),
)


def kernel(x, edge_index_0, edge_index_1, edge_index_2,
           W0, att_src0, att_dst0, bias0,
           W1, att_src1, att_dst1, bias1,
           W2, att_src2, att_dst2, bias2,
           att_w, att_b):
    f32 = jnp.float32
    onehot = (jnp.arange(D, dtype=jnp.int32)[:, None] // C
              == jnp.arange(H, dtype=jnp.int32)[None, :]).astype(f32)
    a_srcs = [onehot * a.reshape(D)[:, None]
              for a in (att_src0, att_src1, att_src2)]
    a_dsts = [onehot * a.reshape(D)[:, None]
              for a in (att_dst0, att_dst1, att_dst2)]
    q = jnp.arange(D // 2, dtype=jnp.int32)
    cola = 32 * (q // 16) + (q % 16)
    colb = cola + 16
    rows_ = jnp.arange(D, dtype=jnp.int32)[:, None]
    sel_a = (rows_ == cola[None, :]).astype(f32)
    sel_b = (rows_ == colb[None, :]).astype(f32)

    (hbf0, hbf1, hbf2, hf0, hf1, hf2,
     as0, as1, as2, ad0, ad1, ad2) = _prep(
        x, W0, W1, W2, *a_srcs, *a_dsts, sel_a, sel_b)

    pad = EP - E
    ids = []
    for ei in (edge_index_0, edge_index_1, edge_index_2):
        s = jnp.concatenate(
            [ei[0], jnp.zeros((pad,), jnp.int32)]).reshape(NW * CPT, CHUNK)
        d = jnp.concatenate(
            [ei[1], jnp.full((pad,), N, jnp.int32)]).reshape(NW * CPT, CHUNK)
        ids.append(jnp.stack([s, d], axis=1))
    zrows = jnp.zeros((RPT, WF), f32)

    acc = _sc_edge(hbf0, hbf1, hbf2, as0, as1, as2, ad0, ad1, ad2,
                   ids[0], ids[1], ids[2], zrows)

    res = _combine(acc, hf0, hf1, hf2, as0, as1, as2, ad0, ad1, ad2,
                   bias0.reshape(1, D), bias1.reshape(1, D),
                   bias2.reshape(1, D), onehot.T,
                   att_w.reshape(1, D), att_b.reshape(1, 1))
    return res

# --- scband reference (transcript-rebuilt; emitter-appended) ---
"""Pipeline reference for scband-hanlayer-36670430773760 (READ-ONLY COPY).

The authoritative reference and input builder live on the scoring server;
editing this copy changes nothing except your own understanding.
"""

import jax, jax.numpy as jnp
import numpy as np

N = 10000
E = 320000
D = 128
H = 8
C = D // H
NE = 3


def setup_inputs(seed: int = 0):
    key = jax.random.key(seed)
    ks = jax.random.split(key, 18)
    inp = {}
    inp['x'] = jax.random.normal(ks[0], (N, D), dtype=jnp.float32)
    for i in range(NE):
        inp['edge_index_%d' % i] = jax.random.randint(ks[1 + i], (2, E), 0, N, dtype=jnp.int32)
    s = 1.0 / np.sqrt(D)
    j = 4
    for i in range(NE):
        inp['W%d' % i] = jax.random.normal(ks[j], (D, D), dtype=jnp.float32) * s; j += 1
        inp['att_src%d' % i] = jax.random.normal(ks[j], (H, C), dtype=jnp.float32) * s; j += 1
        inp['att_dst%d' % i] = jax.random.normal(ks[j], (H, C), dtype=jnp.float32) * s; j += 1
        inp['bias%d' % i] = jnp.zeros((D,), dtype=jnp.float32)
    inp['att_w'] = jax.random.normal(ks[j], (1, D), dtype=jnp.float32) * s
    inp['att_b'] = jnp.zeros((1,), dtype=jnp.float32)
    return inp


def gat_conv(x, edge_index, W, att_src, att_dst, bias):
    n = x.shape[0]
    loop = jnp.arange(n, dtype=edge_index.dtype)
    src = jnp.concatenate([edge_index[0], loop])
    dst = jnp.concatenate([edge_index[1], loop])
    h = (x @ W).reshape(n, H, C)
    a_s = (h * att_src[None, :, :]).sum(-1)
    a_d = (h * att_dst[None, :, :]).sum(-1)
    e = a_s[src] + a_d[dst]
    e = jax.nn.leaky_relu(e, 0.2)
    e_max = jax.ops.segment_max(e, dst, num_segments=n)
    ex = jnp.exp(e - e_max[dst])
    denom = jax.ops.segment_sum(ex, dst, num_segments=n)
    alpha = ex / (denom[dst] + 1e-16)
    msg = h[src] * alpha[:, :, None]
    out = jax.ops.segment_sum(msg, dst, num_segments=n)
    return out.reshape(n, D) + bias


def reference(x, edge_index_0, edge_index_1, edge_index_2,
              W0, att_src0, att_dst0, bias0,
              W1, att_src1, att_dst1, bias1,
              W2, att_src2, att_dst2, bias2,
              att_w, att_b):
    eis = [edge_index_0, edge_index_1, edge_index_2]
    Ws = [W0, W1, W2]
    a_srcs = [att_src0, att_src1, att_src2]
    a_dsts = [att_dst0, att_dst1, att_dst2]
    bs = [bias0, bias1, bias2]
    outs = [gat_conv(x, eis[i], Ws[i], a_srcs[i], a_dsts[i], bs[i]) for i in range(NE)]
    out = jnp.stack(outs, axis=1)  # [N, NE, D]
    att = jnp.einsum('nkd,od->nko', out, att_w) + att_b  # [N, NE, 1]
    att = att.reshape(out.shape[0], 1, NE)  # matches torch .view(-1, 1, NE)
    res = jnp.matmul(att, out)  # [N, 1, D]
    return res.squeeze(1)

if __name__ == "__main__":
    import jax
    _d = setup_inputs()
    print(jax.jit(kernel)(*tuple(_d.values())))

</pallas_src>

<mosaic_0001>
#map = affine_map<(d0, d1) -> (0, 0)>
#map1 = affine_map<(d0, d1) -> (0, 0, 0)>
#map2 = affine_map<(d0, d1) -> (0, 0, 0, 0)>
module attributes {stable_mosaic.version = 14 : i64} {
  func.func @_sc_body(%arg0: i32, %arg1: i32, %arg2: memref<10000x64xi32, #tpu.memory_space<hbm>>, %arg3: memref<10000x64xi32, #tpu.memory_space<hbm>>, %arg4: memref<10000x64xi32, #tpu.memory_space<hbm>>, %arg5: memref<10000x16xf32, #tpu.memory_space<hbm>>, %arg6: memref<10000x16xf32, #tpu.memory_space<hbm>>, %arg7: memref<10000x16xf32, #tpu.memory_space<hbm>>, %arg8: memref<10000x16xf32, #tpu.memory_space<hbm>>, %arg9: memref<10000x16xf32, #tpu.memory_space<hbm>>, %arg10: memref<10000x16xf32, #tpu.memory_space<hbm>>, %arg11: memref<2880x2x112xi32, #tpu.memory_space<hbm>>, %arg12: memref<2880x2x112xi32, #tpu.memory_space<hbm>>, %arg13: memref<2880x2x112xi32, #tpu.memory_space<hbm>>, %arg14: memref<626x144xf32, #tpu.memory_space<hbm>>, %arg15: memref<3x2x10016x144xf32, #tpu.memory_space<hbm>>, %arg16: memref<2x2x112xi32, #tpu.memory_space<vmem>>, %arg17: memref<112x64xi32, #tpu.memory_space<vmem>>, %arg18: memref<112x64xi32, #tpu.memory_space<vmem>>, %arg19: memref<112x16xf32, #tpu.memory_space<vmem>>, %arg20: memref<112x16xf32, #tpu.memory_space<vmem>>, %arg21: memref<112x16xf32, #tpu.memory_space<vmem>>, %arg22: memref<112x16xf32, #tpu.memory_space<vmem>>, %arg23: memref<112x144xf32, #tpu.memory_space<vmem>>, %arg24: memref<10016x144xf32, #tpu.memory_space<vmem_shared>>, %arg25: memref<!tpu.dma_semaphore, #tpu.memory_space<semaphore_mem>>, %arg26: memref<!tpu.dma_semaphore, #tpu.memory_space<semaphore_mem>>, %arg27: memref<!tpu.dma_semaphore, #tpu.memory_space<semaphore_mem>>, %arg28: memref<!tpu.dma_semaphore, #tpu.memory_space<semaphore_mem>>, %arg29: memref<!tpu.dma_semaphore, #tpu.memory_space<semaphore_mem>>, %arg30: memref<!tpu.dma_semaphore, #tpu.memory_space<semaphore_mem>>) attributes {dimension_semantics = [#tpu.dimension_semantics<core_parallel>, #tpu.dimension_semantics<subcore_parallel>], iteration_bounds = array<i64: 2, 16>, scalar_prefetch = 0 : i64, scratch_operands = 15 : i64, tpu.core_type = #tpu.core_type<sc_vector_subcore>, window_params = [{transform_indices = #map}, {transform_indices = #map}, {transform_indices = #map}, {transform_indices = #map}, {transform_indices = #map}, {transform_indices = #map}, {transform_indices = #map}, {transform_indices = #map}, {transform_indices = #map}, {transform_indices = #map1}, {transform_indices = #map1}, {transform_indices = #map1}, {transform_indices = #map}, {transform_indices = #map2}]} {
    %mul3A = arith.constant 16 : i32
    %mul3A_0 = arith.muli %arg0, %mul3A : i32
    %add3A = arith.addi %mul3A_0, %arg1 : i32
    %mul3A_1 = arith.constant 90 : i32
    %mul3A_2 = arith.muli %add3A, %mul3A_1 : i32
    %mul3A_3 = arith.constant 626 : i32
    %mul3A_4 = arith.muli %arg1, %mul3A_3 : i32
    "tpu.region"() ({
      %run_scoped3A_69 = tpu.sem_alloc : memref<!tpu.dma_semaphore, #tpu.memory_space<semaphore_mem>>
      %dma_start3A = arith.constant 0 : i32
      %dma_start3A_70 = tpu.memref_slice %arg24[%mul3A_4, %dma_start3A] : memref<10016x144xf32, #tpu.memory_space<vmem_shared>> -> memref<626x144xf32, #tpu.memory_space<vmem_shared>>
      tpu.enqueue_dma source(%arg14 : memref<626x144xf32, #tpu.memory_space<hbm>>) target(%dma_start3A_70 : memref<626x144xf32, #tpu.memory_space<vmem_shared>>) target_semaphore(%run_scoped3A_69 : memref<!tpu.dma_semaphore, #tpu.memory_space<semaphore_mem>>)
      %dma_wait3A = arith.constant 0 : i32
      %dma_wait3A_71 = tpu.memref_slice %arg24[%mul3A_4, %dma_wait3A] : memref<10016x144xf32, #tpu.memory_space<vmem_shared>> -> memref<626x144xf32, #tpu.memory_space<vmem_shared>>
      tpu.wait_dma2 semaphore(%run_scoped3A_69 : memref<!tpu.dma_semaphore, #tpu.memory_space<semaphore_mem>>) src(%arg14 : memref<626x144xf32, #tpu.memory_space<hbm>>) dst(%dma_wait3A_71 : memref<626x144xf32, #tpu.memory_space<vmem_shared>>)
      tpu.yield
    }) : () -> ()
    %barrier3A = arith.constant 0 : index
    tpu.barrier barrier_id(%barrier3A)
    %add3A_5 = arith.constant 0 : i32
    %add3A_6 = arith.addi %mul3A_2, %add3A_5 : i32
    %run_scoped3A = arith.constant 0 : i32
    "tpu.region"() ({
      %run_scoped3A_69 = tpu.sem_alloc : memref<!tpu.dma_semaphore, #tpu.memory_space<semaphore_mem>>
      %dma_start3A = arith.constant 0 : i32
      %dma_start3A_70 = arith.constant 0 : i32
      %dma_start3A_71 = tpu.memref_slice %arg16[%run_scoped3A, %dma_start3A, %dma_start3A_70] : memref<2x2x112xi32, #tpu.memory_space<vmem>> -> memref<1x2x112xi32, #tpu.memory_space<vmem>>
      %dma_start3A_72 = tpu.memref_squeeze %dma_start3A_71 : memref<1x2x112xi32, #tpu.memory_space<vmem>> -> memref<2x112xi32, #tpu.memory_space<vmem>>
      %dma_start3A_73 = arith.constant 0 : i32
      %dma_start3A_74 = arith.constant 0 : i32
      %dma_start3A_75 = tpu.memref_slice %arg11[%add3A_6, %dma_start3A_73, %dma_start3A_74] : memref<2880x2x112xi32, #tpu.memory_space<hbm>> -> memref<1x2x112xi32, #tpu.memory_space<hbm>>
      %dma_start3A_76 = tpu.memref_squeeze %dma_start3A_75 : memref<1x2x112xi32, #tpu.memory_space<hbm>> -> memref<2x112xi32, #tpu.memory_space<hbm>>
      %dma_start3A_77 = arith.constant 0 : i32
      %dma_start3A_78 = arith.constant 0 : i32
      %dma_start3A_79 = tpu.memref_slice %arg16[%run_scoped3A, %dma_start3A_77, %dma_start3A_78] : memref<2x2x112xi32, #tpu.memory_space<vmem>> -> memref<1x2x112xi32, #tpu.memory_space<vmem>>
      %dma_start3A_80 = tpu.memref_squeeze %dma_start3A_79 : memref<1x2x112xi32, #tpu.memory_space<vmem>> -> memref<2x112xi32, #tpu.memory_space<vmem>>
      %dma_start3A_81 = arith.constant 0 : i32
      %dma_start3A_82 = arith.constant 0 : i32
      %dma_start3A_83 = tpu.memref_slice %arg11[%add3A_6, %dma_start3A_81, %dma_start3A_82] : memref<2880x2x112xi32, #tpu.memory_space<hbm>> -> memref<1x2x112xi32, #tpu.memory_space<hbm>>
      %dma_start3A_84 = tpu.memref_squeeze %dma_start3A_83 : memref<1x2x112xi32, #tpu.memory_space<hbm>> -> memref<2x112xi32, #tpu.memory_space<hbm>>
      tpu.enqueue_dma source(%dma_start3A_84 : memref<2x112xi32, #tpu.memory_space<hbm>>) target(%dma_start3A_80 : memref<2x112xi32, #tpu.memory_space<vmem>>) target_semaphore(%run_scoped3A_69 : memref<!tpu.dma_semaphore, #tpu.memory_space<semaphore_mem>>)
      %dma_wait3A = arith.constant 0 : i32
      %dma_wait3A_85 = arith.constant 0 : i32
      %dma_wait3A_86 = tpu.memref_slice %arg16[%run_scoped3A, %dma_wait3A, %dma_wait3A_85] : memref<2x2x112xi32, #tpu.memory_space<vmem>> -> memref<1x2x112xi32, #tpu.memory_space<vmem>>
      %dma_wait3A_87 = tpu.memref_squeeze %dma_wait3A_86 : memref<1x2x112xi32, #tpu.memory_space<vmem>> -> memref<2x112xi32, #tpu.memory_space<vmem>>
      %dma_wait3A_88 = arith.constant 0 : i32
      %dma_wait3A_89 = arith.constant 0 : i32
      %dma_wait3A_90 = tpu.memref_slice %arg11[%add3A_6, %dma_wait3A_88, %dma_wait3A_89] : memref<2880x2x112xi32, #tpu.memory_space<hbm>> -> memref<1x2x112xi32, #tpu.memory_space<hbm>>
      %dma_wait3A_91 = tpu.memref_squeeze %dma_wait3A_90 : memref<1x2x112xi32, #tpu.memory_space<hbm>> -> memref<2x112xi32, #tpu.memory_space<hbm>>
      %dma_wait3A_92 = arith.constant 0 : i32
      %dma_wait3A_93 = arith.constant 0 : i32
      %dma_wait3A_94 = tpu.memref_slice %arg16[%run_scoped3A, %dma_wait3A_92, %dma_wait3A_93] : memref<2x2x112xi32, #tpu.memory_space<vmem>> -> memref<1x2x112xi32, #tpu.memory_space<vmem>>
      %dma_wait3A_95 = tpu.memref_squeeze %dma_wait3A_94 : memref<1x2x112xi32, #tpu.memory_space<vmem>> -> memref<2x112xi32, #tpu.memory_space<vmem>>
      %dma_wait3A_96 = arith.constant 0 : i32
      %dma_wait3A_97 = arith.constant 0 : i32
      %dma_wait3A_98 = tpu.memref_slice %arg11[%add3A_6, %dma_wait3A_96, %dma_wait3A_97] : memref<2880x2x112xi32, #tpu.memory_space<hbm>> -> memref<1x2x112xi32, #tpu.memory_space<hbm>>
      %dma_wait3A_99 = tpu.memref_squeeze %dma_wait3A_98 : memref<1x2x112xi32, #tpu.memory_space<hbm>> -> memref<2x112xi32, #tpu.memory_space<hbm>>
      tpu.wait_dma2 semaphore(%run_scoped3A_69 : memref<!tpu.dma_semaphore, #tpu.memory_space<semaphore_mem>>) src(%dma_wait3A_99 : memref<2x112xi32, #tpu.memory_space<hbm>>) dst(%dma_wait3A_95 : memref<2x112xi32, #tpu.memory_space<vmem>>)
      tpu.yield
    }) : () -> ()
    %add3A_7 = arith.constant 1 : i32
    %add3A_8 = arith.addi %mul3A_2, %add3A_7 : i32
    %run_scoped3A_9 = arith.constant 1 : i32
    "tpu.region"() ({
      %run_scoped3A_69 = tpu.sem_alloc : memref<!tpu.dma_semaphore, #tpu.memory_space<semaphore_mem>>
      %dma_start3A = arith.constant 0 : i32
      %dma_start3A_70 = arith.constant 0 : i32
      %dma_start3A_71 = tpu.memref_slice %arg16[%run_scoped3A_9, %dma_start3A, %dma_start3A_70] : memref<2x2x112xi32, #tpu.memory_space<vmem>> -> memref<1x2x112xi32, #tpu.memory_space<vmem>>
      %dma_start3A_72 = tpu.memref_squeeze %dma_start3A_71 : memref<1x2x112xi32, #tpu.memory_space<vmem>> -> memref<2x112xi32, #tpu.memory_space<vmem>>
      %dma_start3A_73 = arith.constant 0 : i32
      %dma_start3A_74 = arith.constant 0 : i32
      %dma_start3A_75 = tpu.memref_slice %arg11[%add3A_8, %dma_start3A_73, %dma_start3A_74] : memref<2880x2x112xi32, #tpu.memory_space<hbm>> -> memref<1x2x112xi32, #tpu.memory_space<hbm>>
      %dma_start3A_76 = tpu.memref_squeeze %dma_start3A_75 : memref<1x2x112xi32, #tpu.memory_space<hbm>> -> memref<2x112xi32, #tpu.memory_space<hbm>>
      %dma_start3A_77 = arith.constant 0 : i32
      %dma_start3A_78 = arith.constant 0 : i32
      %dma_start3A_79 = tpu.memref_slice %arg16[%run_scoped3A_9, %dma_start3A_77, %dma_start3A_78] : memref<2x2x112xi32, #tpu.memory_space<vmem>> -> memref<1x2x112xi32, #tpu.memory_space<vmem>>
      %dma_start3A_80 = tpu.memref_squeeze %dma_start3A_79 : memref<1x2x112xi32, #tpu.memory_space<vmem>> -> memref<2x112xi32, #tpu.memory_space<vmem>>
      %dma_start3A_81 = arith.constant 0 : i32
      %dma_start3A_82 = arith.constant 0 : i32
      %dma_start3A_83 = tpu.memref_slice %arg11[%add3A_8, %dma_start3A_81, %dma_start3A_82] : memref<2880x2x112xi32, #tpu.memory_space<hbm>> -> memref<1x2x112xi32, #tpu.memory_space<hbm>>
      %dma_start3A_84 = tpu.memref_squeeze %dma_start3A_83 : memref<1x2x112xi32, #tpu.memory_space<hbm>> -> memref<2x112xi32, #tpu.memory_space<hbm>>
      tpu.enqueue_dma source(%dma_start3A_84 : memref<2x112xi32, #tpu.memory_space<hbm>>) target(%dma_start3A_80 : memref<2x112xi32, #tpu.memory_space<vmem>>) target_semaphore(%run_scoped3A_69 : memref<!tpu.dma_semaphore, #tpu.memory_space<semaphore_mem>>)
      %dma_wait3A = arith.constant 0 : i32
      %dma_wait3A_85 = arith.constant 0 : i32
      %dma_wait3A_86 = tpu.memref_slice %arg16[%run_scoped3A_9, %dma_wait3A, %dma_wait3A_85] : memref<2x2x112xi32, #tpu.memory_space<vmem>> -> memref<1x2x112xi32, #tpu.memory_space<vmem>>
      %dma_wait3A_87 = tpu.memref_squeeze %dma_wait3A_86 : memref<1x2x112xi32, #tpu.memory_space<vmem>> -> memref<2x112xi32, #tpu.memory_space<vmem>>
      %dma_wait3A_88 = arith.constant 0 : i32
      %dma_wait3A_89 = arith.constant 0 : i32
      %dma_wait3A_90 = tpu.memref_slice %arg11[%add3A_8, %dma_wait3A_88, %dma_wait3A_89] : memref<2880x2x112xi32, #tpu.memory_space<hbm>> -> memref<1x2x112xi32, #tpu.memory_space<hbm>>
      %dma_wait3A_91 = tpu.memref_squeeze %dma_wait3A_90 : memref<1x2x112xi32, #tpu.memory_space<hbm>> -> memref<2x112xi32, #tpu.memory_space<hbm>>
      %dma_wait3A_92 = arith.constant 0 : i32
      %dma_wait3A_93 = arith.constant 0 : i32
      %dma_wait3A_94 = tpu.memref_slice %arg16[%run_scoped3A_9, %dma_wait3A_92, %dma_wait3A_93] : memref<2x2x112xi32, #tpu.memory_space<vmem>> -> memref<1x2x112xi32, #tpu.memory_space<vmem>>
      %dma_wait3A_95 = tpu.memref_squeeze %dma_wait3A_94 : memref<1x2x112xi32, #tpu.memory_space<vmem>> -> memref<2x112xi32, #tpu.memory_space<vmem>>
      %dma_wait3A_96 = arith.constant 0 : i32
      %dma_wait3A_97 = arith.constant 0 : i32
      %dma_wait3A_98 = tpu.memref_slice %arg11[%add3A_8, %dma_wait3A_96, %dma_wait3A_97] : memref<2880x2x112xi32, #tpu.memory_space<hbm>> -> memref<1x2x112xi32, #tpu.memory_space<hbm>>
      %dma_wait3A_99 = tpu.memref_squeeze %dma_wait3A_98 : memref<1x2x112xi32, #tpu.memory_space<hbm>> -> memref<2x112xi32, #tpu.memory_space<hbm>>
      tpu.wait_dma2 semaphore(%run_scoped3A_69 : memref<!tpu.dma_semaphore, #tpu.memory_space<semaphore_mem>>) src(%dma_wait3A_99 : memref<2x112xi32, #tpu.memory_space<hbm>>) dst(%dma_wait3A_95 : memref<2x112xi32, #tpu.memory_space<vmem>>)
      tpu.yield
    }) : () -> ()
    %scan3A = arith.constant 0 : i32
    %scan3A_10 = arith.constant 0 : i32
    %scan3A_11 = arith.constant 45 : i32
    %scan3A_12 = arith.addi %scan3A_10, %scan3A_11 : i32
    %scan3A_13 = arith.constant 1 : i32
    %scan3A_14 = scf.for %scan3A_69 = %scan3A_10 to %scan3A_12 step %scan3A_13 iter_args(%scan3A_70 = %scan3A) -> (i32)  : i32 {
      %mul3A_71 = arith.constant 2 : i32
      %mul3A_72 = arith.muli %scan3A_69, %mul3A_71 : i32
      %add3A_73 = arith.constant 0 : i32
      %add3A_74 = arith.addi %mul3A_72, %add3A_73 : i32
      %scan3A_75 = arith.constant 0 : i32
      %scan3A_76 = arith.constant 0 : i32
      %scan3A_77 = arith.constant 112 : i32
      %scan3A_78 = arith.addi %scan3A_76, %scan3A_77 : i32
      %scan3A_79 = arith.constant 4 : i32
      %scan3A_80 = scf.for %scan3A_94 = %scan3A_76 to %scan3A_78 step %scan3A_79 iter_args(%scan3A_95 = %scan3A_75) -> (i32)  : i32 {
        %get3A = arith.index_cast %scan3A_94 : i32 to index
        %get3A_96 = arith.constant 0 : index
        %get3A_97 = tpu.vector_load %arg19[%get3A, %get3A_96] {strides = array<i32>} : memref<112x16xf32, #tpu.memory_space<vmem>>, vector<16xf32>,
        %swap3A = arith.index_cast %scan3A_94 : i32 to index
        %swap3A_98 = arith.constant 128 : index
        %swap3A_99 = tpu.vector_load %arg23[%swap3A, %swap3A_98] {strides = array<i32>} : memref<112x144xf32, #tpu.memory_space<vmem>>, vector<16xf32>,
        tpu.vector_store %arg23[%swap3A, %swap3A_98], %get3A_97 {strides = array<i32>} : memref<112x144xf32, #tpu.memory_space<vmem>>, vector<16xf32>,
        %scan3A_100 = arith.constant 0 : i32
        %scan3A_101 = arith.constant 1 : i32
        %scan3A_102 = arith.addi %scan3A_94, %scan3A_101 : i32
        %get3A_103 = arith.index_cast %scan3A_102 : i32 to index
        %get3A_104 = arith.constant 0 : index
        %get3A_105 = tpu.vector_load %arg19[%get3A_103, %get3A_104] {strides = array<i32>} : memref<112x16xf32, #tpu.memory_space<vmem>>, vector<16xf32>,
        %swap3A_106 = arith.index_cast %scan3A_102 : i32 to index
        %swap3A_107 = arith.constant 128 : index
        %swap3A_108 = tpu.vector_load %arg23[%swap3A_106, %swap3A_107] {strides = array<i32>} : memref<112x144xf32, #tpu.memory_space<vmem>>, vector<16xf32>,
        tpu.vector_store %arg23[%swap3A_106, %swap3A_107], %get3A_105 {strides = array<i32>} : memref<112x144xf32, #tpu.memory_space<vmem>>, vector<16xf32>,
        %scan3A_109 = arith.constant 0 : i32
        %scan3A_110 = arith.constant 2 : i32
        %scan3A_111 = arith.addi %scan3A_94, %scan3A_110 : i32
        %get3A_112 = arith.index_cast %scan3A_111 : i32 to index
        %get3A_113 = arith.constant 0 : index
        %get3A_114 = tpu.vector_load %arg19[%get3A_112, %get3A_113] {strides = array<i32>} : memref<112x16xf32, #tpu.memory_space<vmem>>, vector<16xf32>,
        %swap3A_115 = arith.index_cast %scan3A_111 : i32 to index
        %swap3A_116 = arith.constant 128 : index
        %swap3A_117 = tpu.vector_load %arg23[%swap3A_115, %swap3A_116] {strides = array<i32>} : memref<112x144xf32, #tpu.memory_space<vmem>>, vector<16xf32>,
        tpu.vector_store %arg23[%swap3A_115, %swap3A_116], %get3A_114 {strides = array<i32>} : memref<112x144xf32, #tpu.memory_space<vmem>>, vector<16xf32>,
        %scan3A_118 = arith.constant 0 : i32
        %scan3A_119 = arith.constant 3 : i32
        %scan3A_120 = arith.addi %scan3A_94, %scan3A_119 : i32
        %get3A_121 = arith.index_cast %scan3A_120 : i32 to index
        %get3A_122 = arith.constant 0 : index
        %get3A_123 = tpu.vector_load %arg19[%get3A_121, %get3A_122] {strides = array<i32>} : memref<112x16xf32, #tpu.memory_space<vmem>>, vector<16xf32>,
        %swap3A_124 = arith.index_cast %scan3A_120 : i32 to index
        %swap3A_125 = arith.constant 128 : index
        %swap3A_126 = tpu.vector_load %arg23[%swap3A_124, %swap3A_125] {strides = array<i32>} : memref<112x144xf32, #tpu.memory_space<vmem>>, vector<16xf32>,
        tpu.vector_store %arg23[%swap3A_124, %swap3A_125], %get3A_123 {strides = array<i32>} : memref<112x144xf32, #tpu.memory_space<vmem>>, vector<16xf32>,
        %scan3A_127 = arith.constant 0 : i32
        scf.yield %scan3A_127 : i32
      }
      %scan3A_81 = arith.constant 112 : i32
      %mul3A_82 = arith.constant 2 : i32
      %mul3A_83 = arith.muli %scan3A_69, %mul3A_82 : i32
      %add3A_84 = arith.constant 1 : i32
      %add3A_85 = arith.addi %mul3A_83, %add3A_84 : i32
      %scan3A_86 = arith.constant 0 : i32
      %scan3A_87 = arith.constant 0 : i32
      %scan3A_88 = arith.constant 112 : i32
      %scan3A_89 = arith.addi %scan3A_87, %scan3A_88 : i32
      %scan3A_90 = arith.constant 4 : i32
      %scan3A_91 = scf.for %scan3A_94 = %scan3A_87 to %scan3A_89 step %scan3A_90 iter_args(%scan3A_95 = %scan3A_86) -> (i32)  : i32 {
        %get3A = arith.index_cast %scan3A_94 : i32 to index
        %get3A_96 = arith.constant 0 : index
        %get3A_97 = tpu.vector_load %arg20[%get3A, %get3A_96] {strides = array<i32>} : memref<112x16xf32, #tpu.memory_space<vmem>>, vector<16xf32>,
        %swap3A = arith.index_cast %scan3A_94 : i32 to index
        %swap3A_98 = arith.constant 128 : index
        %swap3A_99 = tpu.vector_load %arg23[%swap3A, %swap3A_98] {strides = array<i32>} : memref<112x144xf32, #tpu.memory_space<vmem>>, vector<16xf32>,
        tpu.vector_store %arg23[%swap3A, %swap3A_98], %get3A_97 {strides = array<i32>} : memref<112x144xf32, #tpu.memory_space<vmem>>, vector<16xf32>,
        %scan3A_100 = arith.constant 0 : i32
        %scan3A_101 = arith.constant 1 : i32
        %scan3A_102 = arith.addi %scan3A_94, %scan3A_101 : i32
        %get3A_103 = arith.index_cast %scan3A_102 : i32 to index
        %get3A_104 = arith.constant 0 : index
        %get3A_105 = tpu.vector_load %arg20[%get3A_103, %get3A_104] {strides = array<i32>} : memref<112x16xf32, #tpu.memory_space<vmem>>, vector<16xf32>,
        %swap3A_106 = arith.index_cast %scan3A_102 : i32 to index
        %swap3A_107 = arith.constant 128 : index
        %swap3A_108 = tpu.vector_load %arg23[%swap3A_106, %swap3A_107] {strides = array<i32>} : memref<112x144xf32, #tpu.memory_space<vmem>>, vector<16xf32>,
        tpu.vector_store %arg23[%swap3A_106, %swap3A_107], %get3A_105 {strides = array<i32>} : memref<112x144xf32, #tpu.memory_space<vmem>>, vector<16xf32>,
        %scan3A_109 = arith.constant 0 : i32
        %scan3A_110 = arith.constant 2 : i32
        %scan3A_111 = arith.addi %scan3A_94, %scan3A_110 : i32
        %get3A_112 = arith.index_cast %scan3A_111 : i32 to index
        %get3A_113 = arith.constant 0 : index
        %get3A_114 = tpu.vector_load %arg20[%get3A_112, %get3A_113] {strides = array<i32>} : memref<112x16xf32, #tpu.memory_space<vmem>>, vector<16xf32>,
        %swap3A_115 = arith.index_cast %scan3A_111 : i32 to index
        %swap3A_116 = arith.constant 128 : index
        %swap3A_117 = tpu.vector_load %arg23[%swap3A_115, %swap3A_116] {strides = array<i32>} : memref<112x144xf32, #tpu.memory_space<vmem>>, vector<16xf32>,
        tpu.vector_store %arg23[%swap3A_115, %swap3A_116], %get3A_114 {strides = array<i32>} : memref<112x144xf32, #tpu.memory_space<vmem>>, vector<16xf32>,
        %scan3A_118 = arith.constant 0 : i32
        %scan3A_119 = arith.constant 3 : i32
        %scan3A_120 = arith.addi %scan3A_94, %scan3A_119 : i32
        %get3A_121 = arith.index_cast %scan3A_120 : i32 to index
        %get3A_122 = arith.constant 0 : index
        %get3A_123 = tpu.vector_load %arg20[%get3A_121, %get3A_122] {strides = array<i32>} : memref<112x16xf32, #tpu.memory_space<vmem>>, vector<16xf32>,
        %swap3A_124 = arith.index_cast %scan3A_120 : i32 to index
        %swap3A_125 = arith.constant 128 : index
        %swap3A_126 = tpu.vector_load %arg23[%swap3A_124, %swap3A_125] {strides = array<i32>} : memref<112x144xf32, #tpu.memory_space<vmem>>, vector<16xf32>,
        tpu.vector_store %arg23[%swap3A_124, %swap3A_125], %get3A_123 {strides = array<i32>} : memref<112x144xf32, #tpu.memory_space<vmem>>, vector<16xf32>,
        %scan3A_127 = arith.constant 0 : i32
        scf.yield %scan3A_127 : i32
      }
      %scan3A_92 = arith.constant 112 : i32
      %scan3A_93 = arith.constant 0 : i32
      scf.yield %scan3A_93 : i32
    }
    %scan3A_15 = arith.constant 45 : i32
    %barrier3A_16 = arith.constant 0 : index
    tpu.barrier barrier_id(%barrier3A_16)
    %mul3A_17 = arith.constant 626 : i32
    %mul3A_18 = arith.muli %arg1, %mul3A_17 : i32
    %mul3A_19 = arith.constant 626 : i32
    %mul3A_20 = arith.muli %arg1, %mul3A_19 : i32
    %run_scoped3A_21 = arith.constant 0 : i32
    "tpu.region"() ({
      %run_scoped3A_69 = tpu.sem_alloc : memref<!tpu.dma_semaphore, #tpu.memory_space<semaphore_mem>>
      %dma_start3A = arith.constant 0 : i32
      %dma_start3A_70 = tpu.memref_slice %arg15[%run_scoped3A_21, %arg0, %mul3A_20, %dma_start3A] : memref<3x2x10016x144xf32, #tpu.memory_space<hbm>> -> memref<1x1x626x144xf32, #tpu.memory_space<hbm>>
      %dma_start3A_71 = tpu.memref_squeeze %dma_start3A_70 : memref<1x1x626x144xf32, #tpu.memory_space<hbm>> -> memref<626x144xf32, #tpu.memory_space<hbm>>
      %dma_start3A_72 = arith.constant 0 : i32
      %dma_start3A_73 = tpu.memref_slice %arg24[%mul3A_18, %dma_start3A_72] : memref<10016x144xf32, #tpu.memory_space<vmem_shared>> -> memref<626x144xf32, #tpu.memory_space<vmem_shared>>
      tpu.enqueue_dma source(%dma_start3A_73 : memref<626x144xf32, #tpu.memory_space<vmem_shared>>) target(%dma_start3A_71 : memref<626x144xf32, #tpu.memory_space<hbm>>) target_semaphore(%run_scoped3A_69 : memref<!tpu.dma_semaphore, #tpu.memory_space<semaphore_mem>>)
      %dma_wait3A = arith.constant 0 : i32
      %dma_wait3A_74 = tpu.memref_slice %arg15[%run_scoped3A_21, %arg0, %mul3A_20, %dma_wait3A] : memref<3x2x10016x144xf32, #tpu.memory_space<hbm>> -> memref<1x1x626x144xf32, #tpu.memory_space<hbm>>
      %dma_wait3A_75 = tpu.memref_squeeze %dma_wait3A_74 : memref<1x1x626x144xf32, #tpu.memory_space<hbm>> -> memref<626x144xf32, #tpu.memory_space<hbm>>
      %dma_wait3A_76 = arith.constant 0 : i32
      %dma_wait3A_77 = tpu.memref_slice %arg24[%mul3A_18, %dma_wait3A_76] : memref<10016x144xf32, #tpu.memory_space<vmem_shared>> -> memref<626x144xf32, #tpu.memory_space<vmem_shared>>
      tpu.wait_dma2 semaphore(%run_scoped3A_69 : memref<!tpu.dma_semaphore, #tpu.memory_space<semaphore_mem>>) src(%dma_wait3A_77 : memref<626x144xf32, #tpu.memory_space<vmem_shared>>) dst(%dma_wait3A_75 : memref<626x144xf32, #tpu.memory_space<hbm>>)
      tpu.yield
    }) : () -> ()
    %barrier3A_22 = arith.constant 0 : index
    tpu.barrier barrier_id(%barrier3A_22)
    %mul3A_23 = arith.constant 626 : i32
    %mul3A_24 = arith.muli %arg1, %mul3A_23 : i32
    "tpu.region"() ({
      %run_scoped3A_69 = tpu.sem_alloc : memref<!tpu.dma_semaphore, #tpu.memory_space<semaphore_mem>>
      %dma_start3A = arith.constant 0 : i32
      %dma_start3A_70 = tpu.memref_slice %arg24[%mul3A_24, %dma_start3A] : memref<10016x144xf32, #tpu.memory_space<vmem_shared>> -> memref<626x144xf32, #tpu.memory_space<vmem_shared>>
      tpu.enqueue_dma source(%arg14 : memref<626x144xf32, #tpu.memory_space<hbm>>) target(%dma_start3A_70 : memref<626x144xf32, #tpu.memory_space<vmem_shared>>) target_semaphore(%run_scoped3A_69 : memref<!tpu.dma_semaphore, #tpu.memory_space<semaphore_mem>>)
      %dma_wait3A = arith.constant 0 : i32
      %dma_wait3A_71 = tpu.memref_slice %arg24[%mul3A_24, %dma_wait3A] : memref<10016x144xf32, #tpu.memory_space<vmem_shared>> -> memref<626x144xf32, #tpu.memory_space<vmem_shared>>
      tpu.wait_dma2 semaphore(%run_scoped3A_69 : memref<!tpu.dma_semaphore, #tpu.memory_space<semaphore_mem>>) src(%arg14 : memref<626x144xf32, #tpu.memory_space<hbm>>) dst(%dma_wait3A_71 : memref<626x144xf32, #tpu.memory_space<vmem_shared>>)
      tpu.yield
    }) : () -> ()
    %barrier3A_25 = arith.constant 0 : index
    tpu.barrier barrier_id(%barrier3A_25)
    %add3A_26 = arith.constant 0 : i32
    %add3A_27 = arith.addi %mul3A_2, %add3A_26 : i32
    %run_scoped3A_28 = arith.constant 0 : i32
    "tpu.region"() ({
      %run_scoped3A_69 = tpu.sem_alloc : memref<!tpu.dma_semaphore, #tpu.memory_space<semaphore_mem>>
      %dma_start3A = arith.constant 0 : i32
      %dma_start3A_70 = arith.constant 0 : i32
      %dma_start3A_71 = tpu.memref_slice %arg16[%run_scoped3A_28, %dma_start3A, %dma_start3A_70] : memref<2x2x112xi32, #tpu.memory_space<vmem>> -> memref<1x2x112xi32, #tpu.memory_space<vmem>>
      %dma_start3A_72 = tpu.memref_squeeze %dma_start3A_71 : memref<1x2x112xi32, #tpu.memory_space<vmem>> -> memref<2x112xi32, #tpu.memory_space<vmem>>
      %dma_start3A_73 = arith.constant 0 : i32
      %dma_start3A_74 = arith.constant 0 : i32
      %dma_start3A_75 = tpu.memref_slice %arg12[%add3A_27, %dma_start3A_73, %dma_start3A_74] : memref<2880x2x112xi32, #tpu.memory_space<hbm>> -> memref<1x2x112xi32, #tpu.memory_space<hbm>>
      %dma_start3A_76 = tpu.memref_squeeze %dma_start3A_75 : memref<1x2x112xi32, #tpu.memory_space<hbm>> -> memref<2x112xi32, #tpu.memory_space<hbm>>
      %dma_start3A_77 = arith.constant 0 : i32
      %dma_start3A_78 = arith.constant 0 : i32
      %dma_start3A_79 = tpu.memref_slice %arg16[%run_scoped3A_28, %dma_start3A_77, %dma_start3A_78] : memref<2x2x112xi32, #tpu.memory_space<vmem>> -> memref<1x2x112xi32, #tpu.memory_space<vmem>>
      %dma_start3A_80 = tpu.memref_squeeze %dma_start3A_79 : memref<1x2x112xi32, #tpu.memory_space<vmem>> -> memref<2x112xi32, #tpu.memory_space<vmem>>
      %dma_start3A_81 = arith.constant 0 : i32
      %dma_start3A_82 = arith.constant 0 : i32
      %dma_start3A_83 = tpu.memref_slice %arg12[%add3A_27, %dma_start3A_81, %dma_start3A_82] : memref<2880x2x112xi32, #tpu.memory_space<hbm>> -> memref<1x2x112xi32, #tpu.memory_space<hbm>>
      %dma_start3A_84 = tpu.memref_squeeze %dma_start3A_83 : memref<1x2x112xi32, #tpu.memory_space<hbm>> -> memref<2x112xi32, #tpu.memory_space<hbm>>
      tpu.enqueue_dma source(%dma_start3A_84 : memref<2x112xi32, #tpu.memory_space<hbm>>) target(%dma_start3A_80 : memref<2x112xi32, #tpu.memory_space<vmem>>) target_semaphore(%run_scoped3A_69 : memref<!tpu.dma_semaphore, #tpu.memory_space<semaphore_mem>>)
      %dma_wait3A = arith.constant 0 : i32
      %dma_wait3A_85 = arith.constant 0 : i32
      %dma_wait3A_86 = tpu.memref_slice %arg16[%run_scoped3A_28, %dma_wait3A, %dma_wait3A_85] : memref<2x2x112xi32, #tpu.memory_space<vmem>> -> memref<1x2x112xi32, #tpu.memory_space<vmem>>
      %dma_wait3A_87 = tpu.memref_squeeze %dma_wait3A_86 : memref<1x2x112xi32, #tpu.memory_space<vmem>> -> memref<2x112xi32, #tpu.memory_space<vmem>>
      %dma_wait3A_88 = arith.constant 0 : i32
      %dma_wait3A_89 = arith.constant 0 : i32
      %dma_wait3A_90 = tpu.memref_slice %arg12[%add3A_27, %dma_wait3A_88, %dma_wait3A_89] : memref<2880x2x112xi32, #tpu.memory_space<hbm>> -> memref<1x2x112xi32, #tpu.memory_space<hbm>>
      %dma_wait3A_91 = tpu.memref_squeeze %dma_wait3A_90 : memref<1x2x112xi32, #tpu.memory_space<hbm>> -> memref<2x112xi32, #tpu.memory_space<hbm>>
      %dma_wait3A_92 = arith.constant 0 : i32
      %dma_wait3A_93 = arith.constant 0 : i32
      %dma_wait3A_94 = tpu.memref_slice %arg16[%run_scoped3A_28, %dma_wait3A_92, %dma_wait3A_93] : memref<2x2x112xi32, #tpu.memory_space<vmem>> -> memref<1x2x112xi32, #tpu.memory_space<vmem>>
      %dma_wait3A_95 = tpu.memref_squeeze %dma_wait3A_94 : memref<1x2x112xi32, #tpu.memory_space<vmem>> -> memref<2x112xi32, #tpu.memory_space<vmem>>
      %dma_wait3A_96 = arith.constant 0 : i32
      %dma_wait3A_97 = arith.constant 0 : i32
      %dma_wait3A_98 = tpu.memref_slice %arg12[%add3A_27, %dma_wait3A_96, %dma_wait3A_97] : memref<2880x2x112xi32, #tpu.memory_space<hbm>> -> memref<1x2x112xi32, #tpu.memory_space<hbm>>
      %dma_wait3A_99 = tpu.memref_squeeze %dma_wait3A_98 : memref<1x2x112xi32, #tpu.memory_space<hbm>> -> memref<2x112xi32, #tpu.memory_space<hbm>>
      tpu.wait_dma2 semaphore(%run_scoped3A_69 : memref<!tpu.dma_semaphore, #tpu.memory_space<semaphore_mem>>) src(%dma_wait3A_99 : memref<2x112xi32, #tpu.memory_space<hbm>>) dst(%dma_wait3A_95 : memref<2x112xi32, #tpu.memory_space<vmem>>)
      tpu.yield
    }) : () -> ()
    %add3A_29 = arith.constant 1 : i32
    %add3A_30 = arith.addi %mul3A_2, %add3A_29 : i32
    %run_scoped3A_31 = arith.constant 1 : i32
    "tpu.region"() ({
      %run_scoped3A_69 = tpu.sem_alloc : memref<!tpu.dma_semaphore, #tpu.memory_space<semaphore_mem>>
      %dma_start3A = arith.constant 0 : i32
      %dma_start3A_70 = arith.constant 0 : i32
      %dma_start3A_71 = tpu.memref_slice %arg16[%run_scoped3A_31, %dma_start3A, %dma_start3A_70] : memref<2x2x112xi32, #tpu.memory_space<vmem>> -> memref<1x2x112xi32, #tpu.memory_space<vmem>>
      %dma_start3A_72 = tpu.memref_squeeze %dma_start3A_71 : memref<1x2x112xi32, #tpu.memory_space<vmem>> -> memref<2x112xi32, #tpu.memory_space<vmem>>
      %dma_start3A_73 = arith.constant 0 : i32
      %dma_start3A_74 = arith.constant 0 : i32
      %dma_start3A_75 = tpu.memref_slice %arg12[%add3A_30, %dma_start3A_73, %dma_start3A_74] : memref<2880x2x112xi32, #tpu.memory_space<hbm>> -> memref<1x2x112xi32, #tpu.memory_space<hbm>>
      %dma_start3A_76 = tpu.memref_squeeze %dma_start3A_75 : memref<1x2x112xi32, #tpu.memory_space<hbm>> -> memref<2x112xi32, #tpu.memory_space<hbm>>
      %dma_start3A_77 = arith.constant 0 : i32
      %dma_start3A_78 = arith.constant 0 : i32
      %dma_start3A_79 = tpu.memref_slice %arg16[%run_scoped3A_31, %dma_start3A_77, %dma_start3A_78] : memref<2x2x112xi32, #tpu.memory_space<vmem>> -> memref<1x2x112xi32, #tpu.memory_space<vmem>>
      %dma_start3A_80 = tpu.memref_squeeze %dma_start3A_79 : memref<1x2x112xi32, #tpu.memory_space<vmem>> -> memref<2x112xi32, #tpu.memory_space<vmem>>
      %dma_start3A_81 = arith.constant 0 : i32
      %dma_start3A_82 = arith.constant 0 : i32
      %dma_start3A_83 = tpu.memref_slice %arg12[%add3A_30, %dma_start3A_81, %dma_start3A_82] : memref<2880x2x112xi32, #tpu.memory_space<hbm>> -> memref<1x2x112xi32, #tpu.memory_space<hbm>>
      %dma_start3A_84 = tpu.memref_squeeze %dma_start3A_83 : memref<1x2x112xi32, #tpu.memory_space<hbm>> -> memref<2x112xi32, #tpu.memory_space<hbm>>
      tpu.enqueue_dma source(%dma_start3A_84 : memref<2x112xi32, #tpu.memory_space<hbm>>) target(%dma_start3A_80 : memref<2x112xi32, #tpu.memory_space<vmem>>) target_semaphore(%run_scoped3A_69 : memref<!tpu.dma_semaphore, #tpu.memory_space<semaphore_mem>>)
      %dma_wait3A = arith.constant 0 : i32
      %dma_wait3A_85 = arith.constant 0 : i32
      %dma_wait3A_86 = tpu.memref_slice %arg16[%run_scoped3A_31, %dma_wait3A, %dma_wait3A_85] : memref<2x2x112xi32, #tpu.memory_space<vmem>> -> memref<1x2x112xi32, #tpu.memory_space<vmem>>
      %dma_wait3A_87 = tpu.memref_squeeze %dma_wait3A_86 : memref<1x2x112xi32, #tpu.memory_space<vmem>> -> memref<2x112xi32, #tpu.memory_space<vmem>>
      %dma_wait3A_88 = arith.constant 0 : i32
      %dma_wait3A_89 = arith.constant 0 : i32
      %dma_wait3A_90 = tpu.memref_slice %arg12[%add3A_30, %dma_wait3A_88, %dma_wait3A_89] : memref<2880x2x112xi32, #tpu.memory_space<hbm>> -> memref<1x2x112xi32, #tpu.memory_space<hbm>>
      %dma_wait3A_91 = tpu.memref_squeeze %dma_wait3A_90 : memref<1x2x112xi32, #tpu.memory_space<hbm>> -> memref<2x112xi32, #tpu.memory_space<hbm>>
      %dma_wait3A_92 = arith.constant 0 : i32
      %dma_wait3A_93 = arith.constant 0 : i32
      %dma_wait3A_94 = tpu.memref_slice %arg16[%run_scoped3A_31, %dma_wait3A_92, %dma_wait3A_93] : memref<2x2x112xi32, #tpu.memory_space<vmem>> -> memref<1x2x112xi32, #tpu.memory_space<vmem>>
      %dma_wait3A_95 = tpu.memref_squeeze %dma_wait3A_94 : memref<1x2x112xi32, #tpu.memory_space<vmem>> -> memref<2x112xi32, #tpu.memory_space<vmem>>
      %dma_wait3A_96 = arith.constant 0 : i32
      %dma_wait3A_97 = arith.constant 0 : i32
      %dma_wait3A_98 = tpu.memref_slice %arg12[%add3A_30, %dma_wait3A_96, %dma_wait3A_97] : memref<2880x2x112xi32, #tpu.memory_space<hbm>> -> memref<1x2x112xi32, #tpu.memory_space<hbm>>
      %dma_wait3A_99 = tpu.memref_squeeze %dma_wait3A_98 : memref<1x2x112xi32, #tpu.memory_space<hbm>> -> memref<2x112xi32, #tpu.memory_space<hbm>>
      tpu.wait_dma2 semaphore(%run_scoped3A_69 : memref<!tpu.dma_semaphore, #tpu.memory_space<semaphore_mem>>) src(%dma_wait3A_99 : memref<2x112xi32, #tpu.memory_space<hbm>>) dst(%dma_wait3A_95 : memref<2x112xi32, #tpu.memory_space<vmem>>)
      tpu.yield
    }) : () -> ()
    %scan3A_32 = arith.constant 0 : i32
    %scan3A_33 = arith.constant 0 : i32
    %scan3A_34 = arith.constant 45 : i32
    %scan3A_35 = arith.addi %scan3A_33, %scan3A_34 : i32
    %scan3A_36 = arith.constant 1 : i32
    %scan3A_37 = scf.for %scan3A_69 = %scan3A_33 to %scan3A_35 step %scan3A_36 iter_args(%scan3A_70 = %scan3A_32) -> (i32)  : i32 {
      %mul3A_71 = arith.constant 2 : i32
      %mul3A_72 = arith.muli %scan3A_69, %mul3A_71 : i32
      %add3A_73 = arith.constant 0 : i32
      %add3A_74 = arith.addi %mul3A_72, %add3A_73 : i32
      %scan3A_75 = arith.constant 0 : i32
      %scan3A_76 = arith.constant 0 : i32
      %scan3A_77 = arith.constant 112 : i32
      %scan3A_78 = arith.addi %scan3A_76, %scan3A_77 : i32
      %scan3A_79 = arith.constant 4 : i32
      %scan3A_80 = scf.for %scan3A_94 = %scan3A_76 to %scan3A_78 step %scan3A_79 iter_args(%scan3A_95 = %scan3A_75) -> (i32)  : i32 {
        %get3A = arith.index_cast %scan3A_94 : i32 to index
        %get3A_96 = arith.constant 0 : index
        %get3A_97 = tpu.vector_load %arg19[%get3A, %get3A_96] {strides = array<i32>} : memref<112x16xf32, #tpu.memory_space<vmem>>, vector<16xf32>,
        %swap3A = arith.index_cast %scan3A_94 : i32 to index
        %swap3A_98 = arith.constant 128 : index
        %swap3A_99 = tpu.vector_load %arg23[%swap3A, %swap3A_98] {strides = array<i32>} : memref<112x144xf32, #tpu.memory_space<vmem>>, vector<16xf32>,
        tpu.vector_store %arg23[%swap3A, %swap3A_98], %get3A_97 {strides = array<i32>} : memref<112x144xf32, #tpu.memory_space<vmem>>, vector<16xf32>,
        %scan3A_100 = arith.constant 0 : i32
        %scan3A_101 = arith.constant 1 : i32
        %scan3A_102 = arith.addi %scan3A_94, %scan3A_101 : i32
        %get3A_103 = arith.index_cast %scan3A_102 : i32 to index
        %get3A_104 = arith.constant 0 : index
        %get3A_105 = tpu.vector_load %arg19[%get3A_103, %get3A_104] {strides = array<i32>} : memref<112x16xf32, #tpu.memory_space<vmem>>, vector<16xf32>,
        %swap3A_106 = arith.index_cast %scan3A_102 : i32 to index
        %swap3A_107 = arith.constant 128 : index
        %swap3A_108 = tpu.vector_load %arg23[%swap3A_106, %swap3A_107] {strides = array<i32>} : memref<112x144xf32, #tpu.memory_space<vmem>>, vector<16xf32>,
        tpu.vector_store %arg23[%swap3A_106, %swap3A_107], %get3A_105 {strides = array<i32>} : memref<112x144xf32, #tpu.memory_space<vmem>>, vector<16xf32>,
        %scan3A_109 = arith.constant 0 : i32
        %scan3A_110 = arith.constant 2 : i32
        %scan3A_111 = arith.addi %scan3A_94, %scan3A_110 : i32
        %get3A_112 = arith.index_cast %scan3A_111 : i32 to index
        %get3A_113 = arith.constant 0 : index
        %get3A_114 = tpu.vector_load %arg19[%get3A_112, %get3A_113] {strides = array<i32>} : memref<112x16xf32, #tpu.memory_space<vmem>>, vector<16xf32>,
        %swap3A_115 = arith.index_cast %scan3A_111 : i32 to index
        %swap3A_116 = arith.constant 128 : index
        %swap3A_117 = tpu.vector_load %arg23[%swap3A_115, %swap3A_116] {strides = array<i32>} : memref<112x144xf32, #tpu.memory_space<vmem>>, vector<16xf32>,
        tpu.vector_store %arg23[%swap3A_115, %swap3A_116], %get3A_114 {strides = array<i32>} : memref<112x144xf32, #tpu.memory_space<vmem>>, vector<16xf32>,
        %scan3A_118 = arith.constant 0 : i32
        %scan3A_119 = arith.constant 3 : i32
        %scan3A_120 = arith.addi %scan3A_94, %scan3A_119 : i32
        %get3A_121 = arith.index_cast %scan3A_120 : i32 to index
        %get3A_122 = arith.constant 0 : index
        %get3A_123 = tpu.vector_load %arg19[%get3A_121, %get3A_122] {strides = array<i32>} : memref<112x16xf32, #tpu.memory_space<vmem>>, vector<16xf32>,
        %swap3A_124 = arith.index_cast %scan3A_120 : i32 to index
        %swap3A_125 = arith.constant 128 : index
        %swap3A_126 = tpu.vector_load %arg23[%swap3A_124, %swap3A_125] {strides = array<i32>} : memref<112x144xf32, #tpu.memory_space<vmem>>, vector<16xf32>,
        tpu.vector_store %arg23[%swap3A_124, %swap3A_125], %get3A_123 {strides = array<i32>} : memref<112x144xf32, #tpu.memory_space<vmem>>, vector<16xf32>,
        %scan3A_127 = arith.constant 0 : i32
        scf.yield %scan3A_127 : i32
      }
      %scan3A_81 = arith.constant 112 : i32
      %mul3A_82 = arith.constant 2 : i32
      %mul3A_83 = arith.muli %scan3A_69, %mul3A_82 : i32
      %add3A_84 = arith.constant 1 : i32
      %add3A_85 = arith.addi %mul3A_83, %add3A_84 : i32
      %scan3A_86 = arith.constant 0 : i32
      %scan3A_87 = arith.constant 0 : i32
      %scan3A_88 = arith.constant 112 : i32
      %scan3A_89 = arith.addi %scan3A_87, %scan3A_88 : i32
      %scan3A_90 = arith.constant 4 : i32
      %scan3A_91 = scf.for %scan3A_94 = %scan3A_87 to %scan3A_89 step %scan3A_90 iter_args(%scan3A_95 = %scan3A_86) -> (i32)  : i32 {
        %get3A = arith.index_cast %scan3A_94 : i32 to index
        %get3A_96 = arith.constant 0 : index
        %get3A_97 = tpu.vector_load %arg20[%get3A, %get3A_96] {strides = array<i32>} : memref<112x16xf32, #tpu.memory_space<vmem>>, vector<16xf32>,
        %swap3A = arith.index_cast %scan3A_94 : i32 to index
        %swap3A_98 = arith.constant 128 : index
        %swap3A_99 = tpu.vector_load %arg23[%swap3A, %swap3A_98] {strides = array<i32>} : memref<112x144xf32, #tpu.memory_space<vmem>>, vector<16xf32>,
        tpu.vector_store %arg23[%swap3A, %swap3A_98], %get3A_97 {strides = array<i32>} : memref<112x144xf32, #tpu.memory_space<vmem>>, vector<16xf32>,
        %scan3A_100 = arith.constant 0 : i32
        %scan3A_101 = arith.constant 1 : i32
        %scan3A_102 = arith.addi %scan3A_94, %scan3A_101 : i32
        %get3A_103 = arith.index_cast %scan3A_102 : i32 to index
        %get3A_104 = arith.constant 0 : index
        %get3A_105 = tpu.vector_load %arg20[%get3A_103, %get3A_104] {strides = array<i32>} : memref<112x16xf32, #tpu.memory_space<vmem>>, vector<16xf32>,
        %swap3A_106 = arith.index_cast %scan3A_102 : i32 to index
        %swap3A_107 = arith.constant 128 : index
        %swap3A_108 = tpu.vector_load %arg23[%swap3A_106, %swap3A_107] {strides = array<i32>} : memref<112x144xf32, #tpu.memory_space<vmem>>, vector<16xf32>,
        tpu.vector_store %arg23[%swap3A_106, %swap3A_107], %get3A_105 {strides = array<i32>} : memref<112x144xf32, #tpu.memory_space<vmem>>, vector<16xf32>,
        %scan3A_109 = arith.constant 0 : i32
        %scan3A_110 = arith.constant 2 : i32
        %scan3A_111 = arith.addi %scan3A_94, %scan3A_110 : i32
        %get3A_112 = arith.index_cast %scan3A_111 : i32 to index
        %get3A_113 = arith.constant 0 : index
        %get3A_114 = tpu.vector_load %arg20[%get3A_112, %get3A_113] {strides = array<i32>} : memref<112x16xf32, #tpu.memory_space<vmem>>, vector<16xf32>,
        %swap3A_115 = arith.index_cast %scan3A_111 : i32 to index
        %swap3A_116 = arith.constant 128 : index
        %swap3A_117 = tpu.vector_load %arg23[%swap3A_115, %swap3A_116] {strides = array<i32>} : memref<112x144xf32, #tpu.memory_space<vmem>>, vector<16xf32>,
        tpu.vector_store %arg23[%swap3A_115, %swap3A_116], %get3A_114 {strides = array<i32>} : memref<112x144xf32, #tpu.memory_space<vmem>>, vector<16xf32>,
        %scan3A_118 = arith.constant 0 : i32
        %scan3A_119 = arith.constant 3 : i32
        %scan3A_120 = arith.addi %scan3A_94, %scan3A_119 : i32
        %get3A_121 = arith.index_cast %scan3A_120 : i32 to index
        %get3A_122 = arith.constant 0 : index
        %get3A_123 = tpu.vector_load %arg20[%get3A_121, %get3A_122] {strides = array<i32>} : memref<112x16xf32, #tpu.memory_space<vmem>>, vector<16xf32>,
        %swap3A_124 = arith.index_cast %scan3A_120 : i32 to index
        %swap3A_125 = arith.constant 128 : index
        %swap3A_126 = tpu.vector_load %arg23[%swap3A_124, %swap3A_125] {strides = array<i32>} : memref<112x144xf32, #tpu.memory_space<vmem>>, vector<16xf32>,
        tpu.vector_store %arg23[%swap3A_124, %swap3A_125], %get3A_123 {strides = array<i32>} : memref<112x144xf32, #tpu.memory_space<vmem>>, vector<16xf32>,
        %scan3A_127 = arith.constant 0 : i32
        scf.yield %scan3A_127 : i32
      }
      %scan3A_92 = arith.constant 112 : i32
      %scan3A_93 = arith.constant 0 : i32
      scf.yield %scan3A_93 : i32
    }
    %scan3A_38 = arith.constant 45 : i32
    %barrier3A_39 = arith.constant 0 : index
    tpu.barrier barrier_id(%barrier3A_39)
    %mul3A_40 = arith.constant 626 : i32
    %mul3A_41 = arith.muli %arg1, %mul3A_40 : i32
    %mul3A_42 = arith.constant 626 : i32
    %mul3A_43 = arith.muli %arg1, %mul3A_42 : i32
    %run_scoped3A_44 = arith.constant 1 : i32
    "tpu.region"() ({
      %run_scoped3A_69 = tpu.sem_alloc : memref<!tpu.dma_semaphore, #tpu.memory_space<semaphore_mem>>
      %dma_start3A = arith.constant 0 : i32
      %dma_start3A_70 = tpu.memref_slice %arg15[%run_scoped3A_44, %arg0, %mul3A_43, %dma_start3A] : memref<3x2x10016x144xf32, #tpu.memory_space<hbm>> -> memref<1x1x626x144xf32, #tpu.memory_space<hbm>>
      %dma_start3A_71 = tpu.memref_squeeze %dma_start3A_70 : memref<1x1x626x144xf32, #tpu.memory_space<hbm>> -> memref<626x144xf32, #tpu.memory_space<hbm>>
      %dma_start3A_72 = arith.constant 0 : i32
      %dma_start3A_73 = tpu.memref_slice %arg24[%mul3A_41, %dma_start3A_72] : memref<10016x144xf32, #tpu.memory_space<vmem_shared>> -> memref<626x144xf32, #tpu.memory_space<vmem_shared>>
      tpu.enqueue_dma source(%dma_start3A_73 : memref<626x144xf32, #tpu.memory_space<vmem_shared>>) target(%dma_start3A_71 : memref<626x144xf32, #tpu.memory_space<hbm>>) target_semaphore(%run_scoped3A_69 : memref<!tpu.dma_semaphore, #tpu.memory_space<semaphore_mem>>)
      %dma_wait3A = arith.constant 0 : i32
      %dma_wait3A_74 = tpu.memref_slice %arg15[%run_scoped3A_44, %arg0, %mul3A_43, %dma_wait3A] : memref<3x2x10016x144xf32, #tpu.memory_space<hbm>> -> memref<1x1x626x144xf32, #tpu.memory_space<hbm>>
      %dma_wait3A_75 = tpu.memref_squeeze %dma_wait3A_74 : memref<1x1x626x144xf32, #tpu.memory_space<hbm>> -> memref<626x144xf32, #tpu.memory_space<hbm>>
      %dma_wait3A_76 = arith.constant 0 : i32
      %dma_wait3A_77 = tpu.memref_slice %arg24[%mul3A_41, %dma_wait3A_76] : memref<10016x144xf32, #tpu.memory_space<vmem_shared>> -> memref<626x144xf32, #tpu.memory_space<vmem_shared>>
      tpu.wait_dma2 semaphore(%run_scoped3A_69 : memref<!tpu.dma_semaphore, #tpu.memory_space<semaphore_mem>>) src(%dma_wait3A_77 : memref<626x144xf32, #tpu.memory_space<vmem_shared>>) dst(%dma_wait3A_75 : memref<626x144xf32, #tpu.memory_space<hbm>>)
      tpu.yield
    }) : () -> ()
    %barrier3A_45 = arith.constant 0 : index
    tpu.barrier barrier_id(%barrier3A_45)
    %mul3A_46 = arith.constant 626 : i32
    %mul3A_47 = arith.muli %arg1, %mul3A_46 : i32
    "tpu.region"() ({
      %run_scoped3A_69 = tpu.sem_alloc : memref<!tpu.dma_semaphore, #tpu.memory_space<semaphore_mem>>
      %dma_start3A = arith.constant 0 : i32
      %dma_start3A_70 = tpu.memref_slice %arg24[%mul3A_47, %dma_start3A] : memref<10016x144xf32, #tpu.memory_space<vmem_shared>> -> memref<626x144xf32, #tpu.memory_space<vmem_shared>>
      tpu.enqueue_dma source(%arg14 : memref<626x144xf32, #tpu.memory_space<hbm>>) target(%dma_start3A_70 : memref<626x144xf32, #tpu.memory_space<vmem_shared>>) target_semaphore(%run_scoped3A_69 : memref<!tpu.dma_semaphore, #tpu.memory_space<semaphore_mem>>)
      %dma_wait3A = arith.constant 0 : i32
      %dma_wait3A_71 = tpu.memref_slice %arg24[%mul3A_47, %dma_wait3A] : memref<10016x144xf32, #tpu.memory_space<vmem_shared>> -> memref<626x144xf32, #tpu.memory_space<vmem_shared>>
      tpu.wait_dma2 semaphore(%run_scoped3A_69 : memref<!tpu.dma_semaphore, #tpu.memory_space<semaphore_mem>>) src(%arg14 : memref<626x144xf32, #tpu.memory_space<hbm>>) dst(%dma_wait3A_71 : memref<626x144xf32, #tpu.memory_space<vmem_shared>>)
      tpu.yield
    }) : () -> ()
    %barrier3A_48 = arith.constant 0 : index
    tpu.barrier barrier_id(%barrier3A_48)
    %add3A_49 = arith.constant 0 : i32
    %add3A_50 = arith.addi %mul3A_2, %add3A_49 : i32
    %run_scoped3A_51 = arith.constant 0 : i32
    "tpu.region"() ({
      %run_scoped3A_69 = tpu.sem_alloc : memref<!tpu.dma_semaphore, #tpu.memory_space<semaphore_mem>>
      %dma_start3A = arith.constant 0 : i32
      %dma_start3A_70 = arith.constant 0 : i32
      %dma_start3A_71 = tpu.memref_slice %arg16[%run_scoped3A_51, %dma_start3A, %dma_start3A_70] : memref<2x2x112xi32, #tpu.memory_space<vmem>> -> memref<1x2x112xi32, #tpu.memory_space<vmem>>
      %dma_start3A_72 = tpu.memref_squeeze %dma_start3A_71 : memref<1x2x112xi32, #tpu.memory_space<vmem>> -> memref<2x112xi32, #tpu.memory_space<vmem>>
      %dma_start3A_73 = arith.constant 0 : i32
      %dma_start3A_74 = arith.constant 0 : i32
      %dma_start3A_75 = tpu.memref_slice %arg13[%add3A_50, %dma_start3A_73, %dma_start3A_74] : memref<2880x2x112xi32, #tpu.memory_space<hbm>> -> memref<1x2x112xi32, #tpu.memory_space<hbm>>
      %dma_start3A_76 = tpu.memref_squeeze %dma_start3A_75 : memref<1x2x112xi32, #tpu.memory_space<hbm>> -> memref<2x112xi32, #tpu.memory_space<hbm>>
      %dma_start3A_77 = arith.constant 0 : i32
      %dma_start3A_78 = arith.constant 0 : i32
      %dma_start3A_79 = tpu.memref_slice %arg16[%run_scoped3A_51, %dma_start3A_77, %dma_start3A_78] : memref<2x2x112xi32, #tpu.memory_space<vmem>> -> memref<1x2x112xi32, #tpu.memory_space<vmem>>
      %dma_start3A_80 = tpu.memref_squeeze %dma_start3A_79 : memref<1x2x112xi32, #tpu.memory_space<vmem>> -> memref<2x112xi32, #tpu.memory_space<vmem>>
      %dma_start3A_81 = arith.constant 0 : i32
      %dma_start3A_82 = arith.constant 0 : i32
      %dma_start3A_83 = tpu.memref_slice %arg13[%add3A_50, %dma_start3A_81, %dma_start3A_82] : memref<2880x2x112xi32, #tpu.memory_space<hbm>> -> memref<1x2x112xi32, #tpu.memory_space<hbm>>
      %dma_start3A_84 = tpu.memref_squeeze %dma_start3A_83 : memref<1x2x112xi32, #tpu.memory_space<hbm>> -> memref<2x112xi32, #tpu.memory_space<hbm>>
      tpu.enqueue_dma source(%dma_start3A_84 : memref<2x112xi32, #tpu.memory_space<hbm>>) target(%dma_start3A_80 : memref<2x112xi32, #tpu.memory_space<vmem>>) target_semaphore(%run_scoped3A_69 : memref<!tpu.dma_semaphore, #tpu.memory_space<semaphore_mem>>)
      %dma_wait3A = arith.constant 0 : i32
      %dma_wait3A_85 = arith.constant 0 : i32
      %dma_wait3A_86 = tpu.memref_slice %arg16[%run_scoped3A_51, %dma_wait3A, %dma_wait3A_85] : memref<2x2x112xi32, #tpu.memory_space<vmem>> -> memref<1x2x112xi32, #tpu.memory_space<vmem>>
      %dma_wait3A_87 = tpu.memref_squeeze %dma_wait3A_86 : memref<1x2x112xi32, #tpu.memory_space<vmem>> -> memref<2x112xi32, #tpu.memory_space<vmem>>
      %dma_wait3A_88 = arith.constant 0 : i32
      %dma_wait3A_89 = arith.constant 0 : i32
      %dma_wait3A_90 = tpu.memref_slice %arg13[%add3A_50, %dma_wait3A_88, %dma_wait3A_89] : memref<2880x2x112xi32, #tpu.memory_space<hbm>> -> memref<1x2x112xi32, #tpu.memory_space<hbm>>
      %dma_wait3A_91 = tpu.memref_squeeze %dma_wait3A_90 : memref<1x2x112xi32, #tpu.memory_space<hbm>> -> memref<2x112xi32, #tpu.memory_space<hbm>>
      %dma_wait3A_92 = arith.constant 0 : i32
      %dma_wait3A_93 = arith.constant 0 : i32
      %dma_wait3A_94 = tpu.memref_slice %arg16[%run_scoped3A_51, %dma_wait3A_92, %dma_wait3A_93] : memref<2x2x112xi32, #tpu.memory_space<vmem>> -> memref<1x2x112xi32, #tpu.memory_space<vmem>>
      %dma_wait3A_95 = tpu.memref_squeeze %dma_wait3A_94 : memref<1x2x112xi32, #tpu.memory_space<vmem>> -> memref<2x112xi32, #tpu.memory_space<vmem>>
      %dma_wait3A_96 = arith.constant 0 : i32
      %dma_wait3A_97 = arith.constant 0 : i32
      %dma_wait3A_98 = tpu.memref_slice %arg13[%add3A_50, %dma_wait3A_96, %dma_wait3A_97] : memref<2880x2x112xi32, #tpu.memory_space<hbm>> -> memref<1x2x112xi32, #tpu.memory_space<hbm>>
      %dma_wait3A_99 = tpu.memref_squeeze %dma_wait3A_98 : memref<1x2x112xi32, #tpu.memory_space<hbm>> -> memref<2x112xi32, #tpu.memory_space<hbm>>
      tpu.wait_dma2 semaphore(%run_scoped3A_69 : memref<!tpu.dma_semaphore, #tpu.memory_space<semaphore_mem>>) src(%dma_wait3A_99 : memref<2x112xi32, #tpu.memory_space<hbm>>) dst(%dma_wait3A_95 : memref<2x112xi32, #tpu.memory_space<vmem>>)
      tpu.yield
    }) : () -> ()
    %add3A_52 = arith.constant 1 : i32
    %add3A_53 = arith.addi %mul3A_2, %add3A_52 : i32
    %run_scoped3A_54 = arith.constant 1 : i32
    "tpu.region"() ({
      %run_scoped3A_69 = tpu.sem_alloc : memref<!tpu.dma_semaphore, #tpu.memory_space<semaphore_mem>>
      %dma_start3A = arith.constant 0 : i32
      %dma_start3A_70 = arith.constant 0 : i32
      %dma_start3A_71 = tpu.memref_slice %arg16[%run_scoped3A_54, %dma_start3A, %dma_start3A_70] : memref<2x2x112xi32, #tpu.memory_space<vmem>> -> memref<1x2x112xi32, #tpu.memory_space<vmem>>
      %dma_start3A_72 = tpu.memref_squeeze %dma_start3A_71 : memref<1x2x112xi32, #tpu.memory_space<vmem>> -> memref<2x112xi32, #tpu.memory_space<vmem>>
      %dma_start3A_73 = arith.constant 0 : i32
      %dma_start3A_74 = arith.constant 0 : i32
      %dma_start3A_75 = tpu.memref_slice %arg13[%add3A_53, %dma_start3A_73, %dma_start3A_74] : memref<2880x2x112xi32, #tpu.memory_space<hbm>> -> memref<1x2x112xi32, #tpu.memory_space<hbm>>
      %dma_start3A_76 = tpu.memref_squeeze %dma_start3A_75 : memref<1x2x112xi32, #tpu.memory_space<hbm>> -> memref<2x112xi32, #tpu.memory_space<hbm>>
      %dma_start3A_77 = arith.constant 0 : i32
      %dma_start3A_78 = arith.constant 0 : i32
      %dma_start3A_79 = tpu.memref_slice %arg16[%run_scoped3A_54, %dma_start3A_77, %dma_start3A_78] : memref<2x2x112xi32, #tpu.memory_space<vmem>> -> memref<1x2x112xi32, #tpu.memory_space<vmem>>
      %dma_start3A_80 = tpu.memref_squeeze %dma_start3A_79 : memref<1x2x112xi32, #tpu.memory_space<vmem>> -> memref<2x112xi32, #tpu.memory_space<vmem>>
      %dma_start3A_81 = arith.constant 0 : i32
      %dma_start3A_82 = arith.constant 0 : i32
      %dma_start3A_83 = tpu.memref_slice %arg13[%add3A_53, %dma_start3A_81, %dma_start3A_82] : memref<2880x2x112xi32, #tpu.memory_space<hbm>> -> memref<1x2x112xi32, #tpu.memory_space<hbm>>
      %dma_start3A_84 = tpu.memref_squeeze %dma_start3A_83 : memref<1x2x112xi32, #tpu.memory_space<hbm>> -> memref<2x112xi32, #tpu.memory_space<hbm>>
      tpu.enqueue_dma source(%dma_start3A_84 : memref<2x112xi32, #tpu.memory_space<hbm>>) target(%dma_start3A_80 : memref<2x112xi32, #tpu.memory_space<vmem>>) target_semaphore(%run_scoped3A_69 : memref<!tpu.dma_semaphore, #tpu.memory_space<semaphore_mem>>)
      %dma_wait3A = arith.constant 0 : i32
      %dma_wait3A_85 = arith.constant 0 : i32
      %dma_wait3A_86 = tpu.memref_slice %arg16[%run_scoped3A_54, %dma_wait3A, %dma_wait3A_85] : memref<2x2x112xi32, #tpu.memory_space<vmem>> -> memref<1x2x112xi32, #tpu.memory_space<vmem>>
      %dma_wait3A_87 = tpu.memref_squeeze %dma_wait3A_86 : memref<1x2x112xi32, #tpu.memory_space<vmem>> -> memref<2x112xi32, #tpu.memory_space<vmem>>
      %dma_wait3A_88 = arith.constant 0 : i32
      %dma_wait3A_89 = arith.constant 0 : i32
      %dma_wait3A_90 = tpu.memref_slice %arg13[%add3A_53, %dma_wait3A_88, %dma_wait3A_89] : memref<2880x2x112xi32, #tpu.memory_space<hbm>> -> memref<1x2x112xi32, #tpu.memory_space<hbm>>
      %dma_wait3A_91 = tpu.memref_squeeze %dma_wait3A_90 : memref<1x2x112xi32, #tpu.memory_space<hbm>> -> memref<2x112xi32, #tpu.memory_space<hbm>>
      %dma_wait3A_92 = arith.constant 0 : i32
      %dma_wait3A_93 = arith.constant 0 : i32
      %dma_wait3A_94 = tpu.memref_slice %arg16[%run_scoped3A_54, %dma_wait3A_92, %dma_wait3A_93] : memref<2x2x112xi32, #tpu.memory_space<vmem>> -> memref<1x2x112xi32, #tpu.memory_space<vmem>>
      %dma_wait3A_95 = tpu.memref_squeeze %dma_wait3A_94 : memref<1x2x112xi32, #tpu.memory_space<vmem>> -> memref<2x112xi32, #tpu.memory_space<vmem>>
      %dma_wait3A_96 = arith.constant 0 : i32
      %dma_wait3A_97 = arith.constant 0 : i32
      %dma_wait3A_98 = tpu.memref_slice %arg13[%add3A_53, %dma_wait3A_96, %dma_wait3A_97] : memref<2880x2x112xi32, #tpu.memory_space<hbm>> -> memref<1x2x112xi32, #tpu.memory_space<hbm>>
      %dma_wait3A_99 = tpu.memref_squeeze %dma_wait3A_98 : memref<1x2x112xi32, #tpu.memory_space<hbm>> -> memref<2x112xi32, #tpu.memory_space<hbm>>
      tpu.wait_dma2 semaphore(%run_scoped3A_69 : memref<!tpu.dma_semaphore, #tpu.memory_space<semaphore_mem>>) src(%dma_wait3A_99 : memref<2x112xi32, #tpu.memory_space<hbm>>) dst(%dma_wait3A_95 : memref<2x112xi32, #tpu.memory_space<vmem>>)
      tpu.yield
    }) : () -> ()
    %scan3A_55 = arith.constant 0 : i32
    %scan3A_56 = arith.constant 0 : i32
    %scan3A_57 = arith.constant 45 : i32
    %scan3A_58 = arith.addi %scan3A_56, %scan3A_57 : i32
    %scan3A_59 = arith.constant 1 : i32
    %scan3A_60 = scf.for %scan3A_69 = %scan3A_56 to %scan3A_58 step %scan3A_59 iter_args(%scan3A_70 = %scan3A_55) -> (i32)  : i32 {
      %mul3A_71 = arith.constant 2 : i32
      %mul3A_72 = arith.muli %scan3A_69, %mul3A_71 : i32
      %add3A_73 = arith.constant 0 : i32
      %add3A_74 = arith.addi %mul3A_72, %add3A_73 : i32
      %scan3A_75 = arith.constant 0 : i32
      %scan3A_76 = arith.constant 0 : i32
      %scan3A_77 = arith.constant 112 : i32
      %scan3A_78 = arith.addi %scan3A_76, %scan3A_77 : i32
      %scan3A_79 = arith.constant 4 : i32
      %scan3A_80 = scf.for %scan3A_94 = %scan3A_76 to %scan3A_78 step %scan3A_79 iter_args(%scan3A_95 = %scan3A_75) -> (i32)  : i32 {
        %get3A = arith.index_cast %scan3A_94 : i32 to index
        %get3A_96 = arith.constant 0 : index
        %get3A_97 = tpu.vector_load %arg19[%get3A, %get3A_96] {strides = array<i32>} : memref<112x16xf32, #tpu.memory_space<vmem>>, vector<16xf32>,
        %swap3A = arith.index_cast %scan3A_94 : i32 to index
        %swap3A_98 = arith.constant 128 : index
        %swap3A_99 = tpu.vector_load %arg23[%swap3A, %swap3A_98] {strides = array<i32>} : memref<112x144xf32, #tpu.memory_space<vmem>>, vector<16xf32>,
        tpu.vector_store %arg23[%swap3A, %swap3A_98], %get3A_97 {strides = array<i32>} : memref<112x144xf32, #tpu.memory_space<vmem>>, vector<16xf32>,
        %scan3A_100 = arith.constant 0 : i32
        %scan3A_101 = arith.constant 1 : i32
        %scan3A_102 = arith.addi %scan3A_94, %scan3A_101 : i32
        %get3A_103 = arith.index_cast %scan3A_102 : i32 to index
        %get3A_104 = arith.constant 0 : index
        %get3A_105 = tpu.vector_load %arg19[%get3A_103, %get3A_104] {strides = array<i32>} : memref<112x16xf32, #tpu.memory_space<vmem>>, vector<16xf32>,
        %swap3A_106 = arith.index_cast %scan3A_102 : i32 to index
        %swap3A_107 = arith.constant 128 : index
        %swap3A_108 = tpu.vector_load %arg23[%swap3A_106, %swap3A_107] {strides = array<i32>} : memref<112x144xf32, #tpu.memory_space<vmem>>, vector<16xf32>,
        tpu.vector_store %arg23[%swap3A_106, %swap3A_107], %get3A_105 {strides = array<i32>} : memref<112x144xf32, #tpu.memory_space<vmem>>, vector<16xf32>,
        %scan3A_109 = arith.constant 0 : i32
        %scan3A_110 = arith.constant 2 : i32
        %scan3A_111 = arith.addi %scan3A_94, %scan3A_110 : i32
        %get3A_112 = arith.index_cast %scan3A_111 : i32 to index
        %get3A_113 = arith.constant 0 : index
        %get3A_114 = tpu.vector_load %arg19[%get3A_112, %get3A_113] {strides = array<i32>} : memref<112x16xf32, #tpu.memory_space<vmem>>, vector<16xf32>,
        %swap3A_115 = arith.index_cast %scan3A_111 : i32 to index
        %swap3A_116 = arith.constant 128 : index
        %swap3A_117 = tpu.vector_load %arg23[%swap3A_115, %swap3A_116] {strides = array<i32>} : memref<112x144xf32, #tpu.memory_space<vmem>>, vector<16xf32>,
        tpu.vector_store %arg23[%swap3A_115, %swap3A_116], %get3A_114 {strides = array<i32>} : memref<112x144xf32, #tpu.memory_space<vmem>>, vector<16xf32>,
        %scan3A_118 = arith.constant 0 : i32
        %scan3A_119 = arith.constant 3 : i32
        %scan3A_120 = arith.addi %scan3A_94, %scan3A_119 : i32
        %get3A_121 = arith.index_cast %scan3A_120 : i32 to index
        %get3A_122 = arith.constant 0 : index
        %get3A_123 = tpu.vector_load %arg19[%get3A_121, %get3A_122] {strides = array<i32>} : memref<112x16xf32, #tpu.memory_space<vmem>>, vector<16xf32>,
        %swap3A_124 = arith.index_cast %scan3A_120 : i32 to index
        %swap3A_125 = arith.constant 128 : index
        %swap3A_126 = tpu.vector_load %arg23[%swap3A_124, %swap3A_125] {strides = array<i32>} : memref<112x144xf32, #tpu.memory_space<vmem>>, vector<16xf32>,
        tpu.vector_store %arg23[%swap3A_124, %swap3A_125], %get3A_123 {strides = array<i32>} : memref<112x144xf32, #tpu.memory_space<vmem>>, vector<16xf32>,
        %scan3A_127 = arith.constant 0 : i32
        scf.yield %scan3A_127 : i32
      }
      %scan3A_81 = arith.constant 112 : i32
      %mul3A_82 = arith.constant 2 : i32
      %mul3A_83 = arith.muli %scan3A_69, %mul3A_82 : i32
      %add3A_84 = arith.constant 1 : i32
      %add3A_85 = arith.addi %mul3A_83, %add3A_84 : i32
      %scan3A_86 = arith.constant 0 : i32
      %scan3A_87 = arith.constant 0 : i32
      %scan3A_88 = arith.constant 112 : i32
      %scan3A_89 = arith.addi %scan3A_87, %scan3A_88 : i32
      %scan3A_90 = arith.constant 4 : i32
      %scan3A_91 = scf.for %scan3A_94 = %scan3A_87 to %scan3A_89 step %scan3A_90 iter_args(%scan3A_95 = %scan3A_86) -> (i32)  : i32 {
        %get3A = arith.index_cast %scan3A_94 : i32 to index
        %get3A_96 = arith.constant 0 : index
        %get3A_97 = tpu.vector_load %arg20[%get3A, %get3A_96] {strides = array<i32>} : memref<112x16xf32, #tpu.memory_space<vmem>>, vector<16xf32>,
        %swap3A = arith.index_cast %scan3A_94 : i32 to index
        %swap3A_98 = arith.constant 128 : index
        %swap3A_99 = tpu.vector_load %arg23[%swap3A, %swap3A_98] {strides = array<i32>} : memref<112x144xf32, #tpu.memory_space<vmem>>, vector<16xf32>,
        tpu.vector_store %arg23[%swap3A, %swap3A_98], %get3A_97 {strides = array<i32>} : memref<112x144xf32, #tpu.memory_space<vmem>>, vector<16xf32>,
        %scan3A_100 = arith.constant 0 : i32
        %scan3A_101 = arith.constant 1 : i32
        %scan3A_102 = arith.addi %scan3A_94, %scan3A_101 : i32
        %get3A_103 = arith.index_cast %scan3A_102 : i32 to index
        %get3A_104 = arith.constant 0 : index
        %get3A_105 = tpu.vector_load %arg20[%get3A_103, %get3A_104] {strides = array<i32>} : memref<112x16xf32, #tpu.memory_space<vmem>>, vector<16xf32>,
        %swap3A_106 = arith.index_cast %scan3A_102 : i32 to index
        %swap3A_107 = arith.constant 128 : index
        %swap3A_108 = tpu.vector_load %arg23[%swap3A_106, %swap3A_107] {strides = array<i32>} : memref<112x144xf32, #tpu.memory_space<vmem>>, vector<16xf32>,
        tpu.vector_store %arg23[%swap3A_106, %swap3A_107], %get3A_105 {strides = array<i32>} : memref<112x144xf32, #tpu.memory_space<vmem>>, vector<16xf32>,
        %scan3A_109 = arith.constant 0 : i32
        %scan3A_110 = arith.constant 2 : i32
        %scan3A_111 = arith.addi %scan3A_94, %scan3A_110 : i32
        %get3A_112 = arith.index_cast %scan3A_111 : i32 to index
        %get3A_113 = arith.constant 0 : index
        %get3A_114 = tpu.vector_load %arg20[%get3A_112, %get3A_113] {strides = array<i32>} : memref<112x16xf32, #tpu.memory_space<vmem>>, vector<16xf32>,
        %swap3A_115 = arith.index_cast %scan3A_111 : i32 to index
        %swap3A_116 = arith.constant 128 : index
        %swap3A_117 = tpu.vector_load %arg23[%swap3A_115, %swap3A_116] {strides = array<i32>} : memref<112x144xf32, #tpu.memory_space<vmem>>, vector<16xf32>,
        tpu.vector_store %arg23[%swap3A_115, %swap3A_116], %get3A_114 {strides = array<i32>} : memref<112x144xf32, #tpu.memory_space<vmem>>, vector<16xf32>,
        %scan3A_118 = arith.constant 0 : i32
        %scan3A_119 = arith.constant 3 : i32
        %scan3A_120 = arith.addi %scan3A_94, %scan3A_119 : i32
        %get3A_121 = arith.index_cast %scan3A_120 : i32 to index
        %get3A_122 = arith.constant 0 : index
        %get3A_123 = tpu.vector_load %arg20[%get3A_121, %get3A_122] {strides = array<i32>} : memref<112x16xf32, #tpu.memory_space<vmem>>, vector<16xf32>,
        %swap3A_124 = arith.index_cast %scan3A_120 : i32 to index
        %swap3A_125 = arith.constant 128 : index
        %swap3A_126 = tpu.vector_load %arg23[%swap3A_124, %swap3A_125] {strides = array<i32>} : memref<112x144xf32, #tpu.memory_space<vmem>>, vector<16xf32>,
        tpu.vector_store %arg23[%swap3A_124, %swap3A_125], %get3A_123 {strides = array<i32>} : memref<112x144xf32, #tpu.memory_space<vmem>>, vector<16xf32>,
        %scan3A_127 = arith.constant 0 : i32
        scf.yield %scan3A_127 : i32
      }
      %scan3A_92 = arith.constant 112 : i32
      %scan3A_93 = arith.constant 0 : i32
      scf.yield %scan3A_93 : i32
    }
    %scan3A_61 = arith.constant 45 : i32
    %barrier3A_62 = arith.constant 0 : index
    tpu.barrier barrier_id(%barrier3A_62)
    %mul3A_63 = arith.constant 626 : i32
    %mul3A_64 = arith.muli %arg1, %mul3A_63 : i32
    %mul3A_65 = arith.constant 626 : i32
    %mul3A_66 = arith.muli %arg1, %mul3A_65 : i32
    %run_scoped3A_67 = arith.constant 2 : i32
    "tpu.region"() ({
      %run_scoped3A_69 = tpu.sem_alloc : memref<!tpu.dma_semaphore, #tpu.memory_space<semaphore_mem>>
      %dma_start3A = arith.constant 0 : i32
      %dma_start3A_70 = tpu.memref_slice %arg15[%run_scoped3A_67, %arg0, %mul3A_66, %dma_start3A] : memref<3x2x10016x144xf32, #tpu.memory_space<hbm>> -> memref<1x1x626x144xf32, #tpu.memory_space<hbm>>
      %dma_start3A_71 = tpu.memref_squeeze %dma_start3A_70 : memref<1x1x626x144xf32, #tpu.memory_space<hbm>> -> memref<626x144xf32, #tpu.memory_space<hbm>>
      %dma_start3A_72 = arith.constant 0 : i32
      %dma_start3A_73 = tpu.memref_slice %arg24[%mul3A_64, %dma_start3A_72] : memref<10016x144xf32, #tpu.memory_space<vmem_shared>> -> memref<626x144xf32, #tpu.memory_space<vmem_shared>>
      tpu.enqueue_dma source(%dma_start3A_73 : memref<626x144xf32, #tpu.memory_space<vmem_shared>>) target(%dma_start3A_71 : memref<626x144xf32, #tpu.memory_space<hbm>>) target_semaphore(%run_scoped3A_69 : memref<!tpu.dma_semaphore, #tpu.memory_space<semaphore_mem>>)
      %dma_wait3A = arith.constant 0 : i32
      %dma_wait3A_74 = tpu.memref_slice %arg15[%run_scoped3A_67, %arg0, %mul3A_66, %dma_wait3A] : memref<3x2x10016x144xf32, #tpu.memory_space<hbm>> -> memref<1x1x626x144xf32, #tpu.memory_space<hbm>>
      %dma_wait3A_75 = tpu.memref_squeeze %dma_wait3A_74 : memref<1x1x626x144xf32, #tpu.memory_space<hbm>> -> memref<626x144xf32, #tpu.memory_space<hbm>>
      %dma_wait3A_76 = arith.constant 0 : i32
      %dma_wait3A_77 = tpu.memref_slice %arg24[%mul3A_64, %dma_wait3A_76] : memref<10016x144xf32, #tpu.memory_space<vmem_shared>> -> memref<626x144xf32, #tpu.memory_space<vmem_shared>>
      tpu.wait_dma2 semaphore(%run_scoped3A_69 : memref<!tpu.dma_semaphore, #tpu.memory_space<semaphore_mem>>) src(%dma_wait3A_77 : memref<626x144xf32, #tpu.memory_space<vmem_shared>>) dst(%dma_wait3A_75 : memref<626x144xf32, #tpu.memory_space<hbm>>)
      tpu.yield
    }) : () -> ()
    %barrier3A_68 = arith.constant 0 : index
    tpu.barrier barrier_id(%barrier3A_68)
    return
  }
}

module attributes {stable_mosaic.version = 14 : i64} {
  func.func @_prep_body(%arg0: i32, %arg1: memref<400x128xf32, #tpu.memory_space<vmem>>, %arg2: memref<128x128xf32, #tpu.memory_space<vmem>>, %arg3: memref<128x128xf32, #tpu.memory_space<vmem>>, %arg4: memref<128x128xf32, #tpu.memory_space<vmem>>, %arg5: memref<128x8xf32, #tpu.memory_space<vmem>>, %arg6: memref<128x8xf32, #tpu.memory_space<vmem>>, %arg7: memref<128x8xf32, #tpu.memory_space<vmem>>, %arg8: memref<128x8xf32, #tpu.memory_space<vmem>>, %arg9: memref<128x8xf32, #tpu.memory_space<vmem>>, %arg10: memref<128x8xf32, #tpu.memory_space<vmem>>, %arg11: memref<128x64xf32, #tpu.memory_space<vmem>>, %arg12: memref<128x64xf32, #tpu.memory_space<vmem>>, %arg13: memref<400x64xi32, #tpu.memory_space<vmem>>, %arg14: memref<400x64xi32, #tpu.memory_space<vmem>>, %arg15: memref<400x64xi32, #tpu.memory_space<vmem>>, %arg16: memref<400x128xf32, #tpu.memory_space<vmem>>, %arg17: memref<400x128xf32, #tpu.memory_space<vmem>>, %arg18: memref<400x128xf32, #tpu.memory_space<vmem>>, %arg19: memref<400x16xf32, #tpu.memory_space<vmem>>, %arg20: memref<400x16xf32, #tpu.memory_space<vmem>>, %arg21: memref<400x16xf32, #tpu.memory_space<vmem>>, %arg22: memref<400x16xf32, #tpu.memory_space<vmem>>, %arg23: memref<400x16xf32, #tpu.memory_space<vmem>>, %arg24: memref<400x16xf32, #tpu.memory_space<vmem>>) attributes {dimension_semantics = [#tpu.dimension_semantics<arbitrary>], iteration_bounds = array<i64: 25>, scalar_prefetch = 0 : i64, scratch_operands = 0 : i64, tpu.core_type = #tpu.core_type<tc>, window_params = [{transform_indices = @transform_0, window_bounds = array<i64: 400, 128>}, {pipeline_mode = #tpu.pipeline_mode<synchronous>, transform_indices = @transform_1, window_bounds = array<i64: 128, 128>}, {pipeline_mode = #tpu.pipeline_mode<synchronous>, transform_indices = @transform_2, window_bounds = array<i64: 128, 128>}, {pipeline_mode = #tpu.pipeline_mode<synchronous>, transform_indices = @transform_3, window_bounds = array<i64: 128, 128>}, {pipeline_mode = #tpu.pipeline_mode<synchronous>, transform_indices = @transform_4, window_bounds = array<i64: 128, 8>}, {pipeline_mode = #tpu.pipeline_mode<synchronous>, transform_indices = @transform_5, window_bounds = array<i64: 128, 8>}, {pipeline_mode = #tpu.pipeline_mode<synchronous>, transform_indices = @transform_6, window_bounds = array<i64: 128, 8>}, {pipeline_mode = #tpu.pipeline_mode<synchronous>, transform_indices = @transform_7, window_bounds = array<i64: 128, 8>}, {pipeline_mode = #tpu.pipeline_mode<synchronous>, transform_indices = @transform_8, window_bounds = array<i64: 128, 8>}, {pipeline_mode = #tpu.pipeline_mode<synchronous>, transform_indices = @transform_9, window_bounds = array<i64: 128, 8>}, {pipeline_mode = #tpu.pipeline_mode<synchronous>, transform_indices = @transform_10, window_bounds = array<i64: 128, 64>}, {pipeline_mode = #tpu.pipeline_mode<synchronous>, transform_indices = @transform_11, window_bounds = array<i64: 128, 64>}, {transform_indices = @transform_12, window_bounds = array<i64: 400, 64>}, {transform_indices = @transform_13, window_bounds = array<i64: 400, 64>}, {transform_indices = @transform_14, window_bounds = array<i64: 400, 64>}, {transform_indices = @transform_15, window_bounds = array<i64: 400, 128>}, {transform_indices = @transform_16, window_bounds = array<i64: 400, 128>}, {transform_indices = @transform_17, window_bounds = array<i64: 400, 128>}, {transform_indices = @transform_18, window_bounds = array<i64: 400, 16>}, {transform_indices = @transform_19, window_bounds = array<i64: 400, 16>}, {transform_indices = @transform_20, window_bounds = array<i64: 400, 16>}, {transform_indices = @transform_21, window_bounds = array<i64: 400, 16>}, {transform_indices = @transform_22, window_bounds = array<i64: 400, 16>}, {transform_indices = @transform_23, window_bounds = array<i64: 400, 16>}]} {
    %get3A = arith.constant 0 : index
    %get3A_0 = arith.constant 0 : index
    %get3A_1 = vector.load %arg1[%get3A, %get3A_0] : memref<400x128xf32, #tpu.memory_space<vmem>>, vector<400x128xf32>
    %get3A_2 = arith.constant 0 : index
    %get3A_3 = arith.constant 0 : index
    %get3A_4 = vector.load %arg11[%get3A_2, %get3A_3] : memref<128x64xf32, #tpu.memory_space<vmem>>, vector<128x64xf32>
    %get3A_5 = arith.constant 0 : index
    %get3A_6 = arith.constant 0 : index
    %get3A_7 = vector.load %arg12[%get3A_5, %get3A_6] : memref<128x64xf32, #tpu.memory_space<vmem>>, vector<128x64xf32>
    %broadcast_in_dim3A = arith.constant 0.000000e+00 : f32
    %broadcast_in_dim3A_8 = vector.broadcast %broadcast_in_dim3A : f32 to vector<400x8xf32>
    %get3A_9 = arith.constant 0 : index
    %get3A_10 = arith.constant 0 : index
    %get3A_11 = vector.load %arg2[%get3A_9, %get3A_10] : memref<128x128xf32, #tpu.memory_space<vmem>>, vector<128x128xf32>
    %dot_general3A = arith.constant dense<0.000000e+00> : vector<400x128xf32>
    %dot_general3A_12 = tpu.matmul %get3A_1, %get3A_11, %dot_general3A {dimension_numbers = #tpu.dot_dimension_numbers<[1], [0], [0], [1], [0, 0, 1, 1], [], []>, transpose_lhs_hint = false} : vector<400x128xf32>, vector<128x128xf32>, vector<400x128xf32> -> vector<400x128xf32>
    %get3A_13 = arith.constant 0 : index
    %get3A_14 = arith.constant 0 : index
    %get3A_15 = vector.load %arg5[%get3A_13, %get3A_14] : memref<128x8xf32, #tpu.memory_space<vmem>>, vector<128x8xf32>
    %dot_general3A_16 = arith.constant dense<0.000000e+00> : vector<400x8xf32>
    %dot_general3A_17 = tpu.matmul %dot_general3A_12, %get3A_15, %dot_general3A_16 {dimension_numbers = #tpu.dot_dimension_numbers<[1], [0], [0], [1], [0, 0, 1, 1], [], []>, transpose_lhs_hint = false} : vector<400x128xf32>, vector<128x8xf32>, vector<400x8xf32> -> vector<400x8xf32>
    %get3A_18 = arith.constant 0 : index
    %get3A_19 = arith.constant 0 : index
    %get3A_20 = vector.load %arg8[%get3A_18, %get3A_19] : memref<128x8xf32, #tpu.memory_space<vmem>>, vector<128x8xf32>
    %dot_general3A_21 = arith.constant dense<0.000000e+00> : vector<400x8xf32>
    %dot_general3A_22 = tpu.matmul %dot_general3A_12, %get3A_20, %dot_general3A_21 {dimension_numbers = #tpu.dot_dimension_numbers<[1], [0], [0], [1], [0, 0, 1, 1], [], []>, transpose_lhs_hint = false} : vector<400x128xf32>, vector<128x8xf32>, vector<400x8xf32> -> vector<400x8xf32>
    %dot_general3A_23 = arith.constant dense<0.000000e+00> : vector<400x64xf32>
    %dot_general3A_24 = tpu.matmul %dot_general3A_12, %get3A_4, %dot_general3A_23 {dimension_numbers = #tpu.dot_dimension_numbers<[1], [0], [0], [1], [0, 0, 1, 1], [], []>, transpose_lhs_hint = false} : vector<400x128xf32>, vector<128x64xf32>, vector<400x64xf32> -> vector<400x64xf32>
    %dot_general3A_25 = arith.constant dense<0.000000e+00> : vector<400x64xf32>
    %dot_general3A_26 = tpu.matmul %dot_general3A_12, %get3A_7, %dot_general3A_25 {dimension_numbers = #tpu.dot_dimension_numbers<[1], [0], [0], [1], [0, 0, 1, 1], [], []>, transpose_lhs_hint = false} : vector<400x128xf32>, vector<128x64xf32>, vector<400x64xf32> -> vector<400x64xf32>
    %convert_element_type3A = arith.truncf %dot_general3A_24 : vector<400x64xf32> to vector<400x64xbf16>
    %convert_element_type3A_27 = arith.extf %convert_element_type3A : vector<400x64xbf16> to vector<400x64xf32>
    %bitcast_convert_type3A = tpu.bitcast %convert_element_type3A_27 : vector<400x64xf32> -> vector<400x64xi32>
    %convert_element_type3A_28 = arith.truncf %dot_general3A_26 : vector<400x64xf32> to vector<400x64xbf16>
    %convert_element_type3A_29 = arith.extf %convert_element_type3A_28 : vector<400x64xbf16> to vector<400x64xf32>
    %bitcast_convert_type3A_30 = tpu.bitcast %convert_element_type3A_29 : vector<400x64xf32> -> vector<400x64xi32>
    %shift_right_logical3A = arith.constant 16 : i32
    %shift_right_logical3A_31 = vector.broadcast %shift_right_logical3A : i32 to vector<400x64xi32>
    %shift_right_logical3A_32 = arith.shrui %bitcast_convert_type3A, %shift_right_logical3A_31 : vector<400x64xi32>
    %and3A = arith.constant -65536 : i32
    %and3A_33 = vector.broadcast %and3A : i32 to vector<400x64xi32>
    %and3A_34 = arith.andi %bitcast_convert_type3A_30, %and3A_33 : vector<400x64xi32>
    %or3A = arith.ori %shift_right_logical3A_32, %and3A_34 : vector<400x64xi32>
    %swap3A = arith.constant 0 : index
    %swap3A_35 = arith.constant 0 : index
    %swap3A_36 = vector.load %arg13[%swap3A, %swap3A_35] : memref<400x64xi32, #tpu.memory_space<vmem>>, vector<400x64xi32>
    tpu.vector_store %arg13[%swap3A, %swap3A_35], %or3A {strides = array<i32>} : memref<400x64xi32, #tpu.memory_space<vmem>>, vector<400x64xi32>,
    %swap3A_37 = arith.constant 0 : index
    %swap3A_38 = arith.constant 0 : index
    %swap3A_39 = vector.load %arg16[%swap3A_37, %swap3A_38] : memref<400x128xf32, #tpu.memory_space<vmem>>, vector<400x128xf32>
    tpu.vector_store %arg16[%swap3A_37, %swap3A_38], %dot_general3A_12 {strides = array<i32>} : memref<400x128xf32, #tpu.memory_space<vmem>>, vector<400x128xf32>,
    %concatenate3A = tpu.concatenate %dot_general3A_17, %broadcast_in_dim3A_8 in 1 : vector<400x8xf32>, vector<400x8xf32> -> vector<400x16xf32>
    %swap3A_40 = arith.constant 0 : index
    %swap3A_41 = arith.constant 0 : index
    %swap3A_42 = vector.load %arg19[%swap3A_40, %swap3A_41] : memref<400x16xf32, #tpu.memory_space<vmem>>, vector<400x16xf32>
    tpu.vector_store %arg19[%swap3A_40, %swap3A_41], %concatenate3A {strides = array<i32>} : memref<400x16xf32, #tpu.memory_space<vmem>>, vector<400x16xf32>,
    %concatenate3A_43 = tpu.concatenate %dot_general3A_22, %broadcast_in_dim3A_8 in 1 : vector<400x8xf32>, vector<400x8xf32> -> vector<400x16xf32>
    %swap3A_44 = arith.constant 0 : index
    %swap3A_45 = arith.constant 0 : index
    %swap3A_46 = vector.load %arg22[%swap3A_44, %swap3A_45] : memref<400x16xf32, #tpu.memory_space<vmem>>, vector<400x16xf32>
    tpu.vector_store %arg22[%swap3A_44, %swap3A_45], %concatenate3A_43 {strides = array<i32>} : memref<400x16xf32, #tpu.memory_space<vmem>>, vector<400x16xf32>,
    %get3A_47 = arith.constant 0 : index
    %get3A_48 = arith.constant 0 : index
    %get3A_49 = vector.load %arg3[%get3A_47, %get3A_48] : memref<128x128xf32, #tpu.memory_space<vmem>>, vector<128x128xf32>
    %dot_general3A_50 = arith.constant dense<0.000000e+00> : vector<400x128xf32>
    %dot_general3A_51 = tpu.matmul %get3A_1, %get3A_49, %dot_general3A_50 {dimension_numbers = #tpu.dot_dimension_numbers<[1], [0], [0], [1], [0, 0, 1, 1], [], []>, transpose_lhs_hint = false} : vector<400x128xf32>, vector<128x128xf32>, vector<400x128xf32> -> vector<400x128xf32>
    %get3A_52 = arith.constant 0 : index
    %get3A_53 = arith.constant 0 : index
    %get3A_54 = vector.load %arg6[%get3A_52, %get3A_53] : memref<128x8xf32, #tpu.memory_space<vmem>>, vector<128x8xf32>
    %dot_general3A_55 = arith.constant dense<0.000000e+00> : vector<400x8xf32>
    %dot_general3A_56 = tpu.matmul %dot_general3A_51, %get3A_54, %dot_general3A_55 {dimension_numbers = #tpu.dot_dimension_numbers<[1], [0], [0], [1], [0, 0, 1, 1], [], []>, transpose_lhs_hint = false} : vector<400x128xf32>, vector<128x8xf32>, vector<400x8xf32> -> vector<400x8xf32>
    %get3A_57 = arith.constant 0 : index
    %get3A_58 = arith.constant 0 : index
    %get3A_59 = vector.load %arg9[%get3A_57, %get3A_58] : memref<128x8xf32, #tpu.memory_space<vmem>>, vector<128x8xf32>
    %dot_general3A_60 = arith.constant dense<0.000000e+00> : vector<400x8xf32>
    %dot_general3A_61 = tpu.matmul %dot_general3A_51, %get3A_59, %dot_general3A_60 {dimension_numbers = #tpu.dot_dimension_numbers<[1], [0], [0], [1], [0, 0, 1, 1], [], []>, transpose_lhs_hint = false} : vector<400x128xf32>, vector<128x8xf32>, vector<400x8xf32> -> vector<400x8xf32>
    %dot_general3A_62 = arith.constant dense<0.000000e+00> : vector<400x64xf32>
    %dot_general3A_63 = tpu.matmul %dot_general3A_51, %get3A_4, %dot_general3A_62 {dimension_numbers = #tpu.dot_dimension_numbers<[1], [0], [0], [1], [0, 0, 1, 1], [], []>, transpose_lhs_hint = false} : vector<400x128xf32>, vector<128x64xf32>, vector<400x64xf32> -> vector<400x64xf32>
    %dot_general3A_64 = arith.constant dense<0.000000e+00> : vector<400x64xf32>
    %dot_general3A_65 = tpu.matmul %dot_general3A_51, %get3A_7, %dot_general3A_64 {dimension_numbers = #tpu.dot_dimension_numbers<[1], [0], [0], [1], [0, 0, 1, 1], [], []>, transpose_lhs_hint = false} : vector<400x128xf32>, vector<128x64xf32>, vector<400x64xf32> -> vector<400x64xf32>
    %convert_element_type3A_66 = arith.truncf %dot_general3A_63 : vector<400x64xf32> to vector<400x64xbf16>
    %convert_element_type3A_67 = arith.extf %convert_element_type3A_66 : vector<400x64xbf16> to vector<400x64xf32>
    %bitcast_convert_type3A_68 = tpu.bitcast %convert_element_type3A_67 : vector<400x64xf32> -> vector<400x64xi32>
    %convert_element_type3A_69 = arith.truncf %dot_general3A_65 : vector<400x64xf32> to vector<400x64xbf16>
    %convert_element_type3A_70 = arith.extf %convert_element_type3A_69 : vector<400x64xbf16> to vector<400x64xf32>
    %bitcast_convert_type3A_71 = tpu.bitcast %convert_element_type3A_70 : vector<400x64xf32> -> vector<400x64xi32>
    %shift_right_logical3A_72 = arith.constant 16 : i32
    %shift_right_logical3A_73 = vector.broadcast %shift_right_logical3A_72 : i32 to vector<400x64xi32>
    %shift_right_logical3A_74 = arith.shrui %bitcast_convert_type3A_68, %shift_right_logical3A_73 : vector<400x64xi32>
    %and3A_75 = arith.constant -65536 : i32
    %and3A_76 = vector.broadcast %and3A_75 : i32 to vector<400x64xi32>
    %and3A_77 = arith.andi %bitcast_convert_type3A_71, %and3A_76 : vector<400x64xi32>
    %or3A_78 = arith.ori %shift_right_logical3A_74, %and3A_77 : vector<400x64xi32>
    %swap3A_79 = arith.constant 0 : index
    %swap3A_80 = arith.constant 0 : index
    %swap3A_81 = vector.load %arg14[%swap3A_79, %swap3A_80] : memref<400x64xi32, #tpu.memory_space<vmem>>, vector<400x64xi32>
    tpu.vector_store %arg14[%swap3A_79, %swap3A_80], %or3A_78 {strides = array<i32>} : memref<400x64xi32, #tpu.memory_space<vmem>>, vector<400x64xi32>,
    %swap3A_82 = arith.constant 0 : index
    %swap3A_83 = arith.constant 0 : index
    %swap3A_84 = vector.load %arg17[%swap3A_82, %swap3A_83] : memref<400x128xf32, #tpu.memory_space<vmem>>, vector<400x128xf32>
    tpu.vector_store %arg17[%swap3A_82, %swap3A_83], %dot_general3A_51 {strides = array<i32>} : memref<400x128xf32, #tpu.memory_space<vmem>>, vector<400x128xf32>,
    %concatenate3A_85 = tpu.concatenate %dot_general3A_56, %broadcast_in_dim3A_8 in 1 : vector<400x8xf32>, vector<400x8xf32> -> vector<400x16xf32>
    %swap3A_86 = arith.constant 0 : index
    %swap3A_87 = arith.constant 0 : index
    %swap3A_88 = vector.load %arg20[%swap3A_86, %swap3A_87] : memref<400x16xf32, #tpu.memory_space<vmem>>, vector<400x16xf32>
    tpu.vector_store %arg20[%swap3A_86, %swap3A_87], %concatenate3A_85 {strides = array<i32>} : memref<400x16xf32, #tpu.memory_space<vmem>>, vector<400x16xf32>,
    %concatenate3A_89 = tpu.concatenate %dot_general3A_61, %broadcast_in_dim3A_8 in 1 : vector<400x8xf32>, vector<400x8xf32> -> vector<400x16xf32>
    %swap3A_90 = arith.constant 0 : index
    %swap3A_91 = arith.constant 0 : index
    %swap3A_92 = vector.load %arg23[%swap3A_90, %swap3A_91] : memref<400x16xf32, #tpu.memory_space<vmem>>, vector<400x16xf32>
    tpu.vector_store %arg23[%swap3A_90, %swap3A_91], %concatenate3A_89 {strides = array<i32>} : memref<400x16xf32, #tpu.memory_space<vmem>>, vector<400x16xf32>,
    %get3A_93 = arith.constant 0 : index
    %get3A_94 = arith.constant 0 : index
    %get3A_95 = vector.load %arg4[%get3A_93, %get3A_94] : memref<128x128xf32, #tpu.memory_space<vmem>>, vector<128x128xf32>
    %dot_general3A_96 = arith.constant dense<0.000000e+00> : vector<400x128xf32>
    %dot_general3A_97 = tpu.matmul %get3A_1, %get3A_95, %dot_general3A_96 {dimension_numbers = #tpu.dot_dimension_numbers<[1], [0], [0], [1], [0, 0, 1, 1], [], []>, transpose_lhs_hint = false} : vector<400x128xf32>, vector<128x128xf32>, vector<400x128xf32> -> vector<400x128xf32>
    %get3A_98 = arith.constant 0 : index
    %get3A_99 = arith.constant 0 : index
    %get3A_100 = vector.load %arg7[%get3A_98, %get3A_99] : memref<128x8xf32, #tpu.memory_space<vmem>>, vector<128x8xf32>
    %dot_general3A_101 = arith.constant dense<0.000000e+00> : vector<400x8xf32>
    %dot_general3A_102 = tpu.matmul %dot_general3A_97, %get3A_100, %dot_general3A_101 {dimension_numbers = #tpu.dot_dimension_numbers<[1], [0], [0], [1], [0, 0, 1, 1], [], []>, transpose_lhs_hint = false} : vector<400x128xf32>, vector<128x8xf32>, vector<400x8xf32> -> vector<400x8xf32>
    %get3A_103 = arith.constant 0 : index
    %get3A_104 = arith.constant 0 : index
    %get3A_105 = vector.load %arg10[%get3A_103, %get3A_104] : memref<128x8xf32, #tpu.memory_space<vmem>>, vector<128x8xf32>
    %dot_general3A_106 = arith.constant dense<0.000000e+00> : vector<400x8xf32>
    %dot_general3A_107 = tpu.matmul %dot_general3A_97, %get3A_105, %dot_general3A_106 {dimension_numbers = #tpu.dot_dimension_numbers<[1], [0], [0], [1], [0, 0, 1, 1], [], []>, transpose_lhs_hint = false} : vector<400x128xf32>, vector<128x8xf32>, vector<400x8xf32> -> vector<400x8xf32>
    %dot_general3A_108 = arith.constant dense<0.000000e+00> : vector<400x64xf32>
    %dot_general3A_109 = tpu.matmul %dot_general3A_97, %get3A_4, %dot_general3A_108 {dimension_numbers = #tpu.dot_dimension_numbers<[1], [0], [0], [1], [0, 0, 1, 1], [], []>, transpose_lhs_hint = false} : vector<400x128xf32>, vector<128x64xf32>, vector<400x64xf32> -> vector<400x64xf32>
    %dot_general3A_110 = arith.constant dense<0.000000e+00> : vector<400x64xf32>
    %dot_general3A_111 = tpu.matmul %dot_general3A_97, %get3A_7, %dot_general3A_110 {dimension_numbers = #tpu.dot_dimension_numbers<[1], [0], [0], [1], [0, 0, 1, 1], [], []>, transpose_lhs_hint = false} : vector<400x128xf32>, vector<128x64xf32>, vector<400x64xf32> -> vector<400x64xf32>
    %convert_element_type3A_112 = arith.truncf %dot_general3A_109 : vector<400x64xf32> to vector<400x64xbf16>
    %convert_element_type3A_113 = arith.extf %convert_element_type3A_112 : vector<400x64xbf16> to vector<400x64xf32>
    %bitcast_convert_type3A_114 = tpu.bitcast %convert_element_type3A_113 : vector<400x64xf32> -> vector<400x64xi32>
    %convert_element_type3A_115 = arith.truncf %dot_general3A_111 : vector<400x64xf32> to vector<400x64xbf16>
    %convert_element_type3A_116 = arith.extf %convert_element_type3A_115 : vector<400x64xbf16> to vector<400x64xf32>
    %bitcast_convert_type3A_117 = tpu.bitcast %convert_element_type3A_116 : vector<400x64xf32> -> vector<400x64xi32>
    %shift_right_logical3A_118 = arith.constant 16 : i32
    %shift_right_logical3A_119 = vector.broadcast %shift_right_logical3A_118 : i32 to vector<400x64xi32>
    %shift_right_logical3A_120 = arith.shrui %bitcast_convert_type3A_114, %shift_right_logical3A_119 : vector<400x64xi32>
    %and3A_121 = arith.constant -65536 : i32
    %and3A_122 = vector.broadcast %and3A_121 : i32 to vector<400x64xi32>
    %and3A_123 = arith.andi %bitcast_convert_type3A_117, %and3A_122 : vector<400x64xi32>
    %or3A_124 = arith.ori %shift_right_logical3A_120, %and3A_123 : vector<400x64xi32>
    %swap3A_125 = arith.constant 0 : index
    %swap3A_126 = arith.constant 0 : index
    %swap3A_127 = vector.load %arg15[%swap3A_125, %swap3A_126] : memref<400x64xi32, #tpu.memory_space<vmem>>, vector<400x64xi32>
    tpu.vector_store %arg15[%swap3A_125, %swap3A_126], %or3A_124 {strides = array<i32>} : memref<400x64xi32, #tpu.memory_space<vmem>>, vector<400x64xi32>,
    %swap3A_128 = arith.constant 0 : index
    %swap3A_129 = arith.constant 0 : index
    %swap3A_130 = vector.load %arg18[%swap3A_128, %swap3A_129] : memref<400x128xf32, #tpu.memory_space<vmem>>, vector<400x128xf32>
    tpu.vector_store %arg18[%swap3A_128, %swap3A_129], %dot_general3A_97 {strides = array<i32>} : memref<400x128xf32, #tpu.memory_space<vmem>>, vector<400x128xf32>,
    %concatenate3A_131 = tpu.concatenate %dot_general3A_102, %broadcast_in_dim3A_8 in 1 : vector<400x8xf32>, vector<400x8xf32> -> vector<400x16xf32>
    %swap3A_132 = arith.constant 0 : index
    %swap3A_133 = arith.constant 0 : index
    %swap3A_134 = vector.load %arg21[%swap3A_132, %swap3A_133] : memref<400x16xf32, #tpu.memory_space<vmem>>, vector<400x16xf32>
    tpu.vector_store %arg21[%swap3A_132, %swap3A_133], %concatenate3A_131 {strides = array<i32>} : memref<400x16xf32, #tpu.memory_space<vmem>>, vector<400x16xf32>,
    %concatenate3A_135 = tpu.concatenate %dot_general3A_107, %broadcast_in_dim3A_8 in 1 : vector<400x8xf32>, vector<400x8xf32> -> vector<400x16xf32>
    %swap3A_136 = arith.constant 0 : index
    %swap3A_137 = arith.constant 0 : index
    %swap3A_138 = vector.load %arg24[%swap3A_136, %swap3A_137] : memref<400x16xf32, #tpu.memory_space<vmem>>, vector<400x16xf32>
    tpu.vector_store %arg24[%swap3A_136, %swap3A_137], %concatenate3A_135 {strides = array<i32>} : memref<400x16xf32, #tpu.memory_space<vmem>>, vector<400x16xf32>,
    return
  }
  func.func @transform_0(%arg0: i32) -> (i32, i32) {
    %c0_i32 = arith.constant 0 : i32
    %c0_i32_0 = arith.constant 0 : i32
    return %arg0, %c0_i32 : i32, i32
  }
  func.func @transform_1(%arg0: i32) -> (i32, i32) {
    %c0_i32 = arith.constant 0 : i32
    %c0_i32_0 = arith.constant 0 : i32
    %c0_i32_1 = arith.constant 0 : i32
    return %c0_i32, %c0_i32_0 : i32, i32
  }
  func.func @transform_2(%arg0: i32) -> (i32, i32) {
    %c0_i32 = arith.constant 0 : i32
    %c0_i32_0 = arith.constant 0 : i32
    %c0_i32_1 = arith.constant 0 : i32
    return %c0_i32, %c0_i32_0 : i32, i32
  }
  func.func @transform_3(%arg0: i32) -> (i32, i32) {
    %c0_i32 = arith.constant 0 : i32
    %c0_i32_0 = arith.constant 0 : i32
    %c0_i32_1 = arith.constant 0 : i32
    return %c0_i32, %c0_i32_0 : i32, i32
  }
  func.func @transform_4(%arg0: i32) -> (i32, i32) {
    %c0_i32 = arith.constant 0 : i32
    %c0_i32_0 = arith.constant 0 : i32
    %c0_i32_1 = arith.constant 0 : i32
    return %c0_i32, %c0_i32_0 : i32, i32
  }
  func.func @transform_5(%arg0: i32) -> (i32, i32) {
    %c0_i32 = arith.constant 0 : i32
    %c0_i32_0 = arith.constant 0 : i32
    %c0_i32_1 = arith.constant 0 : i32
    return %c0_i32, %c0_i32_0 : i32, i32
  }
  func.func @transform_6(%arg0: i32) -> (i32, i32) {
    %c0_i32 = arith.constant 0 : i32
    %c0_i32_0 = arith.constant 0 : i32
    %c0_i32_1 = arith.constant 0 : i32
    return %c0_i32, %c0_i32_0 : i32, i32
  }
  func.func @transform_7(%arg0: i32) -> (i32, i32) {
    %c0_i32 = arith.constant 0 : i32
    %c0_i32_0 = arith.constant 0 : i32
    %c0_i32_1 = arith.constant 0 : i32
    return %c0_i32, %c0_i32_0 : i32, i32
  }
  func.func @transform_8(%arg0: i32) -> (i32, i32) {
    %c0_i32 = arith.constant 0 : i32
    %c0_i32_0 = arith.constant 0 : i32
    %c0_i32_1 = arith.constant 0 : i32
    return %c0_i32, %c0_i32_0 : i32, i32
  }
  func.func @transform_9(%arg0: i32) -> (i32, i32) {
    %c0_i32 = arith.constant 0 : i32
    %c0_i32_0 = arith.constant 0 : i32
    %c0_i32_1 = arith.constant 0 : i32
    return %c0_i32, %c0_i32_0 : i32, i32
  }
  func.func @transform_10(%arg0: i32) -> (i32, i32) {
    %c0_i32 = arith.constant 0 : i32
    %c0_i32_0 = arith.constant 0 : i32
    %c0_i32_1 = arith.constant 0 : i32
    return %c0_i32, %c0_i32_0 : i32, i32
  }
  func.func @transform_11(%arg0: i32) -> (i32, i32) {
    %c0_i32 = arith.constant 0 : i32
    %c0_i32_0 = arith.constant 0 : i32
    %c0_i32_1 = arith.constant 0 : i32
    return %c0_i32, %c0_i32_0 : i32, i32
  }
  func.func @transform_12(%arg0: i32) -> (i32, i32) {
    %c0_i32 = arith.constant 0 : i32
    %c0_i32_0 = arith.constant 0 : i32
    return %arg0, %c0_i32 : i32, i32
  }
  func.func @transform_13(%arg0: i32) -> (i32, i32) {
    %c0_i32 = arith.constant 0 : i32
    %c0_i32_0 = arith.constant 0 : i32
    return %arg0, %c0_i32 : i32, i32
  }
  func.func @transform_14(%arg0: i32) -> (i32, i32) {
    %c0_i32 = arith.constant 0 : i32
    %c0_i32_0 = arith.constant 0 : i32
    return %arg0, %c0_i32 : i32, i32
  }
  func.func @transform_15(%arg0: i32) -> (i32, i32) {
    %c0_i32 = arith.constant 0 : i32
    %c0_i32_0 = arith.constant 0 : i32
    return %arg0, %c0_i32 : i32, i32
  }
  func.func @transform_16(%arg0: i32) -> (i32, i32) {
    %c0_i32 = arith.constant 0 : i32
    %c0_i32_0 = arith.constant 0 : i32
    return %arg0, %c0_i32 : i32, i32
  }
  func.func @transform_17(%arg0: i32) -> (i32, i32) {
    %c0_i32 = arith.constant 0 : i32
    %c0_i32_0 = arith.constant 0 : i32
    return %arg0, %c0_i32 : i32, i32
  }
  func.func @transform_18(%arg0: i32) -> (i32, i32) {
    %c0_i32 = arith.constant 0 : i32
    %c0_i32_0 = arith.constant 0 : i32
    return %arg0, %c0_i32 : i32, i32
  }
  func.func @transform_19(%arg0: i32) -> (i32, i32) {
    %c0_i32 = arith.constant 0 : i32
    %c0_i32_0 = arith.constant 0 : i32
    return %arg0, %c0_i32 : i32, i32
  }
  func.func @transform_20(%arg0: i32) -> (i32, i32) {
    %c0_i32 = arith.constant 0 : i32
    %c0_i32_0 = arith.constant 0 : i32
    return %arg0, %c0_i32 : i32, i32
  }
  func.func @transform_21(%arg0: i32) -> (i32, i32) {
    %c0_i32 = arith.constant 0 : i32
    %c0_i32_0 = arith.constant 0 : i32
    return %arg0, %c0_i32 : i32, i32
  }
  func.func @transform_22(%arg0: i32) -> (i32, i32) {
    %c0_i32 = arith.constant 0 : i32
    %c0_i32_0 = arith.constant 0 : i32
    return %arg0, %c0_i32 : i32, i32
  }
  func.func @transform_23(%arg0: i32) -> (i32, i32) {
    %c0_i32 = arith.constant 0 : i32
    %c0_i32_0 = arith.constant 0 : i32
    return %arg0, %c0_i32 : i32, i32
  }
}

module attributes {stable_mosaic.version = 14 : i64} {
  func.func @_combine_body(%arg0: i32, %arg1: memref<3x2x400x144xf32, #tpu.memory_space<vmem>>, %arg2: memref<400x128xf32, #tpu.memory_space<vmem>>, %arg3: memref<400x128xf32, #tpu.memory_space<vmem>>, %arg4: memref<400x128xf32, #tpu.memory_space<vmem>>, %arg5: memref<400x16xf32, #tpu.memory_space<vmem>>, %arg6: memref<400x16xf32, #tpu.memory_space<vmem>>, %arg7: memref<400x16xf32, #tpu.memory_space<vmem>>, %arg8: memref<400x16xf32, #tpu.memory_space<vmem>>, %arg9: memref<400x16xf32, #tpu.memory_space<vmem>>, %arg10: memref<400x16xf32, #tpu.memory_space<vmem>>, %arg11: memref<1x128xf32, #tpu.memory_space<vmem>>, %arg12: memref<1x128xf32, #tpu.memory_space<vmem>>, %arg13: memref<1x128xf32, #tpu.memory_space<vmem>>, %arg14: memref<8x128xf32, #tpu.memory_space<vmem>>, %arg15: memref<1x128xf32, #tpu.memory_space<vmem>>, %arg16: memref<1x1xf32, #tpu.memory_space<vmem>>, %arg17: memref<400x128xf32, #tpu.memory_space<vmem>>) attributes {dimension_semantics = [#tpu.dimension_semantics<arbitrary>], iteration_bounds = array<i64: 25>, scalar_prefetch = 0 : i64, scratch_operands = 0 : i64, tpu.core_type = #tpu.core_type<tc>, window_params = [{transform_indices = @transform_0, window_bounds = array<i64: 3, 2, 400, 144>}, {transform_indices = @transform_1, window_bounds = array<i64: 400, 128>}, {transform_indices = @transform_2, window_bounds = array<i64: 400, 128>}, {transform_indices = @transform_3, window_bounds = array<i64: 400, 128>}, {transform_indices = @transform_4, window_bounds = array<i64: 400, 16>}, {transform_indices = @transform_5, window_bounds = array<i64: 400, 16>}, {transform_indices = @transform_6, window_bounds = array<i64: 400, 16>}, {transform_indices = @transform_7, window_bounds = array<i64: 400, 16>}, {transform_indices = @transform_8, window_bounds = array<i64: 400, 16>}, {transform_indices = @transform_9, window_bounds = array<i64: 400, 16>}, {pipeline_mode = #tpu.pipeline_mode<synchronous>, transform_indices = @transform_10, window_bounds = array<i64: 1, 128>}, {pipeline_mode = #tpu.pipeline_mode<synchronous>, transform_indices = @transform_11, window_bounds = array<i64: 1, 128>}, {pipeline_mode = #tpu.pipeline_mode<synchronous>, transform_indices = @transform_12, window_bounds = array<i64: 1, 128>}, {pipeline_mode = #tpu.pipeline_mode<synchronous>, transform_indices = @transform_13, window_bounds = array<i64: 8, 128>}, {pipeline_mode = #tpu.pipeline_mode<synchronous>, transform_indices = @transform_14, window_bounds = array<i64: 1, 128>}, {pipeline_mode = #tpu.pipeline_mode<synchronous>, transform_indices = @transform_15, window_bounds = array<i64: 1, 1>}, {transform_indices = @transform_16, window_bounds = array<i64: 400, 128>}]} {
    %get3A = arith.constant 0 : index
    %get3A_0 = arith.constant 0 : index
    %get3A_1 = vector.load %arg14[%get3A, %get3A_0] : memref<8x128xf32, #tpu.memory_space<vmem>>, vector<8x128xf32>
    %get3A_2 = arith.constant 0 : index
    %get3A_3 = arith.constant 0 : index
    %get3A_4 = vector.load %arg15[%get3A_2, %get3A_3] : memref<1x128xf32, #tpu.memory_space<vmem>>, vector<1x128xf32>
    %get3A_5 = arith.constant 0 : index
    %get3A_6 = arith.constant 0 : index
    %get3A_7 = arith.constant 0 : index
    %get3A_8 = arith.constant 0 : index
    %get3A_9 = vector.load %arg1[%get3A_5, %get3A_6, %get3A_7, %get3A_8] : memref<3x2x400x144xf32, #tpu.memory_space<vmem>>, vector<3x2x400x144xf32>
    %broadcast_in_dim3A = arith.constant 0.000000e+00 : f32
    %broadcast_in_dim3A_10 = vector.broadcast %broadcast_in_dim3A : f32 to vector<400x128xf32>
    %slice3A = vector.extract_strided_slice %get3A_9 {offsets = [0, 0, 0, 0], sizes = [1, 1, 400, 128], strides = [1, 1, 1, 1]} : vector<3x2x400x144xf32> to vector<1x1x400x128xf32>
    %squeeze3A = vector.shape_cast %slice3A : vector<1x1x400x128xf32> to vector<400x128xf32>
    %slice3A_11 = vector.extract_strided_slice %get3A_9 {offsets = [0, 1, 0, 0], sizes = [1, 1, 400, 128], strides = [1, 1, 1, 1]} : vector<3x2x400x144xf32> to vector<1x1x400x128xf32>
    %squeeze3A_12 = vector.shape_cast %slice3A_11 : vector<1x1x400x128xf32> to vector<400x128xf32>
    %add3A = arith.addf %squeeze3A, %squeeze3A_12 : vector<400x128xf32>
    %slice3A_13 = vector.extract_strided_slice %get3A_9 {offsets = [0, 0, 0, 128], sizes = [1, 1, 400, 8], strides = [1, 1, 1, 1]} : vector<3x2x400x144xf32> to vector<1x1x400x8xf32>
    %squeeze3A_14 = vector.shape_cast %slice3A_13 : vector<1x1x400x8xf32> to vector<400x8xf32>
    %slice3A_15 = vector.extract_strided_slice %get3A_9 {offsets = [0, 1, 0, 128], sizes = [1, 1, 400, 8], strides = [1, 1, 1, 1]} : vector<3x2x400x144xf32> to vector<1x1x400x8xf32>
    %squeeze3A_16 = vector.shape_cast %slice3A_15 : vector<1x1x400x8xf32> to vector<400x8xf32>
    %add3A_17 = arith.addf %squeeze3A_14, %squeeze3A_16 : vector<400x8xf32>
    %get3A_18 = arith.constant 0 : index
    %get3A_19 = arith.constant 0 : index
    %get3A_20 = vector.load %arg2[%get3A_18, %get3A_19] : memref<400x128xf32, #tpu.memory_space<vmem>>, vector<400x128xf32>
    %get3A_21 = arith.constant 0 : index
    %get3A_22 = arith.constant 0 : index
    %get3A_23 = vector.load %arg5[%get3A_21, %get3A_22] : memref<400x16xf32, #tpu.memory_space<vmem>>, vector<400x16xf32>
    %slice3A_24 = vector.extract_strided_slice %get3A_23 {offsets = [0, 0], sizes = [400, 8], strides = [1, 1]} : vector<400x16xf32> to vector<400x8xf32>
    %get3A_25 = arith.constant 0 : index
    %get3A_26 = arith.constant 0 : index
    %get3A_27 = vector.load %arg8[%get3A_25, %get3A_26] : memref<400x16xf32, #tpu.memory_space<vmem>>, vector<400x16xf32>
    %slice3A_28 = vector.extract_strided_slice %get3A_27 {offsets = [0, 0], sizes = [400, 8], strides = [1, 1]} : vector<400x16xf32> to vector<400x8xf32>
    %add3A_29 = arith.addf %slice3A_24, %slice3A_28 : vector<400x8xf32>
    %gt3A = arith.constant 0.000000e+00 : f32
    %gt3A_30 = vector.broadcast %gt3A : f32 to vector<400x8xf32>
    %gt3A_31 = arith.cmpf ogt, %add3A_29, %gt3A_30 : vector<400x8xf32>
    %mul3A = arith.constant 2.000000e-01 : f32
    %mul3A_32 = vector.broadcast %mul3A : f32 to vector<400x8xf32>
    %mul3A_33 = arith.mulf %add3A_29, %mul3A_32 : vector<400x8xf32>
    %select_n3A = arith.select %gt3A_31, %add3A_29, %mul3A_33 : vector<400x8xi1>, vector<400x8xf32>
    %exp3A = math.exp %select_n3A : vector<400x8xf32>
    %add3A_34 = arith.addf %add3A_17, %exp3A : vector<400x8xf32>
    %dot_general3A = arith.constant dense<0.000000e+00> : vector<400x128xf32>
    %dot_general3A_35 = tpu.matmul %exp3A, %get3A_1, %dot_general3A {dimension_numbers = #tpu.dot_dimension_numbers<[1], [0], [0], [1], [0, 0, 1, 1], [], []>, transpose_lhs_hint = false} : vector<400x8xf32>, vector<8x128xf32>, vector<400x128xf32> -> vector<400x128xf32>
    %mul3A_36 = arith.mulf %dot_general3A_35, %get3A_20 : vector<400x128xf32>
    %add3A_37 = arith.addf %add3A, %mul3A_36 : vector<400x128xf32>
    %dot_general3A_38 = arith.constant dense<0.000000e+00> : vector<400x128xf32>
    %dot_general3A_39 = tpu.matmul %add3A_34, %get3A_1, %dot_general3A_38 {dimension_numbers = #tpu.dot_dimension_numbers<[1], [0], [0], [1], [0, 0, 1, 1], [], []>, transpose_lhs_hint = false} : vector<400x8xf32>, vector<8x128xf32>, vector<400x128xf32> -> vector<400x128xf32>
    %add3A_40 = arith.constant 1.000000e-16 : f32
    %add3A_41 = vector.broadcast %add3A_40 : f32 to vector<400x128xf32>
    %add3A_42 = arith.addf %dot_general3A_39, %add3A_41 : vector<400x128xf32>
    %div3A = arith.divf %add3A_37, %add3A_42 : vector<400x128xf32>
    %get3A_43 = arith.constant 0 : index
    %get3A_44 = arith.constant 0 : index
    %get3A_45 = vector.load %arg11[%get3A_43, %get3A_44] : memref<1x128xf32, #tpu.memory_space<vmem>>, vector<1x128xf32>
    %add3A_46 = vector.broadcast %get3A_45 : vector<1x128xf32> to vector<400x128xf32>
    %add3A_47 = arith.addf %div3A, %add3A_46 : vector<400x128xf32>
    %mul3A_48 = vector.broadcast %get3A_4 : vector<1x128xf32> to vector<400x128xf32>
    %mul3A_49 = arith.mulf %add3A_47, %mul3A_48 : vector<400x128xf32>
    %reduce_sum3A = arith.constant dense<0.000000e+00> : vector<400xf32>
    %reduce_sum3A_50 = vector.multi_reduction <add>, %mul3A_49, %reduce_sum3A [1] : vector<400x128xf32> to vector<400xf32>
    %broadcast_in_dim3A_51 = vector.shape_cast %reduce_sum3A_50 : vector<400xf32> to vector<400x1xf32>
    %get3A_52 = arith.constant 0 : index
    %get3A_53 = arith.constant 0 : index
    %get3A_54 = vector.load %arg16[%get3A_52, %get3A_53] : memref<1x1xf32, #tpu.memory_space<vmem>>, vector<1x1xf32>
    %add3A_55 = vector.broadcast %get3A_54 : vector<1x1xf32> to vector<400x1xf32>
    %add3A_56 = arith.addf %broadcast_in_dim3A_51, %add3A_55 : vector<400x1xf32>
    %mul3A_57 = vector.broadcast %add3A_56 : vector<400x1xf32> to vector<400x128xf32>
    %mul3A_58 = arith.mulf %mul3A_57, %add3A_47 : vector<400x128xf32>
    %add3A_59 = arith.addf %broadcast_in_dim3A_10, %mul3A_58 : vector<400x128xf32>
    %slice3A_60 = vector.extract_strided_slice %get3A_9 {offsets = [1, 0, 0, 0], sizes = [1, 1, 400, 128], strides = [1, 1, 1, 1]} : vector<3x2x400x144xf32> to vector<1x1x400x128xf32>
    %squeeze3A_61 = vector.shape_cast %slice3A_60 : vector<1x1x400x128xf32> to vector<400x128xf32>
    %slice3A_62 = vector.extract_strided_slice %get3A_9 {offsets = [1, 1, 0, 0], sizes = [1, 1, 400, 128], strides = [1, 1, 1, 1]} : vector<3x2x400x144xf32> to vector<1x1x400x128xf32>
    %squeeze3A_63 = vector.shape_cast %slice3A_62 : vector<1x1x400x128xf32> to vector<400x128xf32>
    %add3A_64 = arith.addf %squeeze3A_61, %squeeze3A_63 : vector<400x128xf32>
    %slice3A_65 = vector.extract_strided_slice %get3A_9 {offsets = [1, 0, 0, 128], sizes = [1, 1, 400, 8], strides = [1, 1, 1, 1]} : vector<3x2x400x144xf32> to vector<1x1x400x8xf32>
    %squeeze3A_66 = vector.shape_cast %slice3A_65 : vector<1x1x400x8xf32> to vector<400x8xf32>
    %slice3A_67 = vector.extract_strided_slice %get3A_9 {offsets = [1, 1, 0, 128], sizes = [1, 1, 400, 8], strides = [1, 1, 1, 1]} : vector<3x2x400x144xf32> to vector<1x1x400x8xf32>
    %squeeze3A_68 = vector.shape_cast %slice3A_67 : vector<1x1x400x8xf32> to vector<400x8xf32>
    %add3A_69 = arith.addf %squeeze3A_66, %squeeze3A_68 : vector<400x8xf32>
    %get3A_70 = arith.constant 0 : index
    %get3A_71 = arith.constant 0 : index
    %get3A_72 = vector.load %arg3[%get3A_70, %get3A_71] : memref<400x128xf32, #tpu.memory_space<vmem>>, vector<400x128xf32>
    %get3A_73 = arith.constant 0 : index
    %get3A_74 = arith.constant 0 : index
    %get3A_75 = vector.load %arg6[%get3A_73, %get3A_74] : memref<400x16xf32, #tpu.memory_space<vmem>>, vector<400x16xf32>
    %slice3A_76 = vector.extract_strided_slice %get3A_75 {offsets = [0, 0], sizes = [400, 8], strides = [1, 1]} : vector<400x16xf32> to vector<400x8xf32>
    %get3A_77 = arith.constant 0 : index
    %get3A_78 = arith.constant 0 : index
    %get3A_79 = vector.load %arg9[%get3A_77, %get3A_78] : memref<400x16xf32, #tpu.memory_space<vmem>>, vector<400x16xf32>
    %slice3A_80 = vector.extract_strided_slice %get3A_79 {offsets = [0, 0], sizes = [400, 8], strides = [1, 1]} : vector<400x16xf32> to vector<400x8xf32>
    %add3A_81 = arith.addf %slice3A_76, %slice3A_80 : vector<400x8xf32>
    %gt3A_82 = arith.constant 0.000000e+00 : f32
    %gt3A_83 = vector.broadcast %gt3A_82 : f32 to vector<400x8xf32>
    %gt3A_84 = arith.cmpf ogt, %add3A_81, %gt3A_83 : vector<400x8xf32>
    %mul3A_85 = arith.constant 2.000000e-01 : f32
    %mul3A_86 = vector.broadcast %mul3A_85 : f32 to vector<400x8xf32>
    %mul3A_87 = arith.mulf %add3A_81, %mul3A_86 : vector<400x8xf32>
    %select_n3A_88 = arith.select %gt3A_84, %add3A_81, %mul3A_87 : vector<400x8xi1>, vector<400x8xf32>
    %exp3A_89 = math.exp %select_n3A_88 : vector<400x8xf32>
    %add3A_90 = arith.addf %add3A_69, %exp3A_89 : vector<400x8xf32>
    %dot_general3A_91 = arith.constant dense<0.000000e+00> : vector<400x128xf32>
    %dot_general3A_92 = tpu.matmul %exp3A_89, %get3A_1, %dot_general3A_91 {dimension_numbers = #tpu.dot_dimension_numbers<[1], [0], [0], [1], [0, 0, 1, 1], [], []>, transpose_lhs_hint = false} : vector<400x8xf32>, vector<8x128xf32>, vector<400x128xf32> -> vector<400x128xf32>
    %mul3A_93 = arith.mulf %dot_general3A_92, %get3A_72 : vector<400x128xf32>
    %add3A_94 = arith.addf %add3A_64, %mul3A_93 : vector<400x128xf32>
    %dot_general3A_95 = arith.constant dense<0.000000e+00> : vector<400x128xf32>
    %dot_general3A_96 = tpu.matmul %add3A_90, %get3A_1, %dot_general3A_95 {dimension_numbers = #tpu.dot_dimension_numbers<[1], [0], [0], [1], [0, 0, 1, 1], [], []>, transpose_lhs_hint = false} : vector<400x8xf32>, vector<8x128xf32>, vector<400x128xf32> -> vector<400x128xf32>
    %add3A_97 = arith.constant 1.000000e-16 : f32
    %add3A_98 = vector.broadcast %add3A_97 : f32 to vector<400x128xf32>
    %add3A_99 = arith.addf %dot_general3A_96, %add3A_98 : vector<400x128xf32>
    %div3A_100 = arith.divf %add3A_94, %add3A_99 : vector<400x128xf32>
    %get3A_101 = arith.constant 0 : index
    %get3A_102 = arith.constant 0 : index
    %get3A_103 = vector.load %arg12[%get3A_101, %get3A_102] : memref<1x128xf32, #tpu.memory_space<vmem>>, vector<1x128xf32>
    %add3A_104 = vector.broadcast %get3A_103 : vector<1x128xf32> to vector<400x128xf32>
    %add3A_105 = arith.addf %div3A_100, %add3A_104 : vector<400x128xf32>
    %mul3A_106 = vector.broadcast %get3A_4 : vector<1x128xf32> to vector<400x128xf32>
    %mul3A_107 = arith.mulf %add3A_105, %mul3A_106 : vector<400x128xf32>
    %reduce_sum3A_108 = arith.constant dense<0.000000e+00> : vector<400xf32>
    %reduce_sum3A_109 = vector.multi_reduction <add>, %mul3A_107, %reduce_sum3A_108 [1] : vector<400x128xf32> to vector<400xf32>
    %broadcast_in_dim3A_110 = vector.shape_cast %reduce_sum3A_109 : vector<400xf32> to vector<400x1xf32>
    %get3A_111 = arith.constant 0 : index
    %get3A_112 = arith.constant 0 : index
    %get3A_113 = vector.load %arg16[%get3A_111, %get3A_112] : memref<1x1xf32, #tpu.memory_space<vmem>>, vector<1x1xf32>
    %add3A_114 = vector.broadcast %get3A_113 : vector<1x1xf32> to vector<400x1xf32>
    %add3A_115 = arith.addf %broadcast_in_dim3A_110, %add3A_114 : vector<400x1xf32>
    %mul3A_116 = vector.broadcast %add3A_115 : vector<400x1xf32> to vector<400x128xf32>
    %mul3A_117 = arith.mulf %mul3A_116, %add3A_105 : vector<400x128xf32>
    %add3A_118 = arith.addf %add3A_59, %mul3A_117 : vector<400x128xf32>
    %slice3A_119 = vector.extract_strided_slice %get3A_9 {offsets = [2, 0, 0, 0], sizes = [1, 1, 400, 128], strides = [1, 1, 1, 1]} : vector<3x2x400x144xf32> to vector<1x1x400x128xf32>
    %squeeze3A_120 = vector.shape_cast %slice3A_119 : vector<1x1x400x128xf32> to vector<400x128xf32>
    %slice3A_121 = vector.extract_strided_slice %get3A_9 {offsets = [2, 1, 0, 0], sizes = [1, 1, 400, 128], strides = [1, 1, 1, 1]} : vector<3x2x400x144xf32> to vector<1x1x400x128xf32>
    %squeeze3A_122 = vector.shape_cast %slice3A_121 : vector<1x1x400x128xf32> to vector<400x128xf32>
    %add3A_123 = arith.addf %squeeze3A_120, %squeeze3A_122 : vector<400x128xf32>
    %slice3A_124 = vector.extract_strided_slice %get3A_9 {offsets = [2, 0, 0, 128], sizes = [1, 1, 400, 8], strides = [1, 1, 1, 1]} : vector<3x2x400x144xf32> to vector<1x1x400x8xf32>
    %squeeze3A_125 = vector.shape_cast %slice3A_124 : vector<1x1x400x8xf32> to vector<400x8xf32>
    %slice3A_126 = vector.extract_strided_slice %get3A_9 {offsets = [2, 1, 0, 128], sizes = [1, 1, 400, 8], strides = [1, 1, 1, 1]} : vector<3x2x400x144xf32> to vector<1x1x400x8xf32>
    %squeeze3A_127 = vector.shape_cast %slice3A_126 : vector<1x1x400x8xf32> to vector<400x8xf32>
    %add3A_128 = arith.addf %squeeze3A_125, %squeeze3A_127 : vector<400x8xf32>
    %get3A_129 = arith.constant 0 : index
    %get3A_130 = arith.constant 0 : index
    %get3A_131 = vector.load %arg4[%get3A_129, %get3A_130] : memref<400x128xf32, #tpu.memory_space<vmem>>, vector<400x128xf32>
    %get3A_132 = arith.constant 0 : index
    %get3A_133 = arith.constant 0 : index
    %get3A_134 = vector.load %arg7[%get3A_132, %get3A_133] : memref<400x16xf32, #tpu.memory_space<vmem>>, vector<400x16xf32>
    %slice3A_135 = vector.extract_strided_slice %get3A_134 {offsets = [0, 0], sizes = [400, 8], strides = [1, 1]} : vector<400x16xf32> to vector<400x8xf32>
    %get3A_136 = arith.constant 0 : index
    %get3A_137 = arith.constant 0 : index
    %get3A_138 = vector.load %arg10[%get3A_136, %get3A_137] : memref<400x16xf32, #tpu.memory_space<vmem>>, vector<400x16xf32>
    %slice3A_139 = vector.extract_strided_slice %get3A_138 {offsets = [0, 0], sizes = [400, 8], strides = [1, 1]} : vector<400x16xf32> to vector<400x8xf32>
    %add3A_140 = arith.addf %slice3A_135, %slice3A_139 : vector<400x8xf32>
    %gt3A_141 = arith.constant 0.000000e+00 : f32
    %gt3A_142 = vector.broadcast %gt3A_141 : f32 to vector<400x8xf32>
    %gt3A_143 = arith.cmpf ogt, %add3A_140, %gt3A_142 : vector<400x8xf32>
    %mul3A_144 = arith.constant 2.000000e-01 : f32
    %mul3A_145 = vector.broadcast %mul3A_144 : f32 to vector<400x8xf32>
    %mul3A_146 = arith.mulf %add3A_140, %mul3A_145 : vector<400x8xf32>
    %select_n3A_147 = arith.select %gt3A_143, %add3A_140, %mul3A_146 : vector<400x8xi1>, vector<400x8xf32>
    %exp3A_148 = math.exp %select_n3A_147 : vector<400x8xf32>
    %add3A_149 = arith.addf %add3A_128, %exp3A_148 : vector<400x8xf32>
    %dot_general3A_150 = arith.constant dense<0.000000e+00> : vector<400x128xf32>
    %dot_general3A_151 = tpu.matmul %exp3A_148, %get3A_1, %dot_general3A_150 {dimension_numbers = #tpu.dot_dimension_numbers<[1], [0], [0], [1], [0, 0, 1, 1], [], []>, transpose_lhs_hint = false} : vector<400x8xf32>, vector<8x128xf32>, vector<400x128xf32> -> vector<400x128xf32>
    %mul3A_152 = arith.mulf %dot_general3A_151, %get3A_131 : vector<400x128xf32>
    %add3A_153 = arith.addf %add3A_123, %mul3A_152 : vector<400x128xf32>
    %dot_general3A_154 = arith.constant dense<0.000000e+00> : vector<400x128xf32>
    %dot_general3A_155 = tpu.matmul %add3A_149, %get3A_1, %dot_general3A_154 {dimension_numbers = #tpu.dot_dimension_numbers<[1], [0], [0], [1], [0, 0, 1, 1], [], []>, transpose_lhs_hint = false} : vector<400x8xf32>, vector<8x128xf32>, vector<400x128xf32> -> vector<400x128xf32>
    %add3A_156 = arith.constant 1.000000e-16 : f32
    %add3A_157 = vector.broadcast %add3A_156 : f32 to vector<400x128xf32>
    %add3A_158 = arith.addf %dot_general3A_155, %add3A_157 : vector<400x128xf32>
    %div3A_159 = arith.divf %add3A_153, %add3A_158 : vector<400x128xf32>
    %get3A_160 = arith.constant 0 : index
    %get3A_161 = arith.constant 0 : index
    %get3A_162 = vector.load %arg13[%get3A_160, %get3A_161] : memref<1x128xf32, #tpu.memory_space<vmem>>, vector<1x128xf32>
    %add3A_163 = vector.broadcast %get3A_162 : vector<1x128xf32> to vector<400x128xf32>
    %add3A_164 = arith.addf %div3A_159, %add3A_163 : vector<400x128xf32>
    %mul3A_165 = vector.broadcast %get3A_4 : vector<1x128xf32> to vector<400x128xf32>
    %mul3A_166 = arith.mulf %add3A_164, %mul3A_165 : vector<400x128xf32>
    %reduce_sum3A_167 = arith.constant dense<0.000000e+00> : vector<400xf32>
    %reduce_sum3A_168 = vector.multi_reduction <add>, %mul3A_166, %reduce_sum3A_167 [1] : vector<400x128xf32> to vector<400xf32>
    %broadcast_in_dim3A_169 = vector.shape_cast %reduce_sum3A_168 : vector<400xf32> to vector<400x1xf32>
    %get3A_170 = arith.constant 0 : index
    %get3A_171 = arith.constant 0 : index
    %get3A_172 = vector.load %arg16[%get3A_170, %get3A_171] : memref<1x1xf32, #tpu.memory_space<vmem>>, vector<1x1xf32>
    %add3A_173 = vector.broadcast %get3A_172 : vector<1x1xf32> to vector<400x1xf32>
    %add3A_174 = arith.addf %broadcast_in_dim3A_169, %add3A_173 : vector<400x1xf32>
    %mul3A_175 = vector.broadcast %add3A_174 : vector<400x1xf32> to vector<400x128xf32>
    %mul3A_176 = arith.mulf %mul3A_175, %add3A_164 : vector<400x128xf32>
    %add3A_177 = arith.addf %add3A_118, %mul3A_176 : vector<400x128xf32>
    %swap3A = arith.constant 0 : index
    %swap3A_178 = arith.constant 0 : index
    %swap3A_179 = vector.load %arg17[%swap3A, %swap3A_178] : memref<400x128xf32, #tpu.memory_space<vmem>>, vector<400x128xf32>
    tpu.vector_store %arg17[%swap3A, %swap3A_178], %add3A_177 {strides = array<i32>} : memref<400x128xf32, #tpu.memory_space<vmem>>, vector<400x128xf32>,
    return
  }
  func.func @transform_0(%arg0: i32) -> (i32, i32, i32, i32) {
    %c0_i32 = arith.constant 0 : i32
    %c0_i32_0 = arith.constant 0 : i32
    %c0_i32_1 = arith.constant 0 : i32
    %c0_i32_2 = arith.constant 0 : i32
    return %c0_i32, %c0_i32_0, %arg0, %c0_i32_1 : i32, i32, i32, i32
  }
  func.func @transform_1(%arg0: i32) -> (i32, i32) {
    %c0_i32 = arith.constant 0 : i32
    %c0_i32_0 = arith.constant 0 : i32
    return %arg0, %c0_i32 : i32, i32
  }
  func.func @transform_2(%arg0: i32) -> (i32, i32) {
    %c0_i32 = arith.constant 0 : i32
    %c0_i32_0 = arith.constant 0 : i32
    return %arg0, %c0_i32 : i32, i32
  }
  func.func @transform_3(%arg0: i32) -> (i32, i32) {
    %c0_i32 = arith.constant 0 : i32
    %c0_i32_0 = arith.constant 0 : i32
    return %arg0, %c0_i32 : i32, i32
  }
  func.func @transform_4(%arg0: i32) -> (i32, i32) {
    %c0_i32 = arith.constant 0 : i32
    %c0_i32_0 = arith.constant 0 : i32
    return %arg0, %c0_i32 : i32, i32
  }
  func.func @transform_5(%arg0: i32) -> (i32, i32) {
    %c0_i32 = arith.constant 0 : i32
    %c0_i32_0 = arith.constant 0 : i32
    return %arg0, %c0_i32 : i32, i32
  }
  func.func @transform_6(%arg0: i32) -> (i32, i32) {
    %c0_i32 = arith.constant 0 : i32
    %c0_i32_0 = arith.constant 0 : i32
    return %arg0, %c0_i32 : i32, i32
  }
  func.func @transform_7(%arg0: i32) -> (i32, i32) {
    %c0_i32 = arith.constant 0 : i32
    %c0_i32_0 = arith.constant 0 : i32
    return %arg0, %c0_i32 : i32, i32
  }
  func.func @transform_8(%arg0: i32) -> (i32, i32) {
    %c0_i32 = arith.constant 0 : i32
    %c0_i32_0 = arith.constant 0 : i32
    return %arg0, %c0_i32 : i32, i32
  }
  func.func @transform_9(%arg0: i32) -> (i32, i32) {
    %c0_i32 = arith.constant 0 : i32
    %c0_i32_0 = arith.constant 0 : i32
    return %arg0, %c0_i32 : i32, i32
  }
  func.func @transform_10(%arg0: i32) -> (i32, i32) {
    %c0_i32 = arith.constant 0 : i32
    %c0_i32_0 = arith.constant 0 : i32
    %c0_i32_1 = arith.constant 0 : i32
    return %c0_i32, %c0_i32_0 : i32, i32
  }
  func.func @transform_11(%arg0: i32) -> (i32, i32) {
    %c0_i32 = arith.constant 0 : i32
    %c0_i32_0 = arith.constant 0 : i32
    %c0_i32_1 = arith.constant 0 : i32
    return %c0_i32, %c0_i32_0 : i32, i32
  }
  func.func @transform_12(%arg0: i32) -> (i32, i32) {
    %c0_i32 = arith.constant 0 : i32
    %c0_i32_0 = arith.constant 0 : i32
    %c0_i32_1 = arith.constant 0 : i32
    return %c0_i32, %c0_i32_0 : i32, i32
  }
  func.func @transform_13(%arg0: i32) -> (i32, i32) {
    %c0_i32 = arith.constant 0 : i32
    %c0_i32_0 = arith.constant 0 : i32
    %c0_i32_1 = arith.constant 0 : i32
    return %c0_i32, %c0_i32_0 : i32, i32
  }
  func.func @transform_14(%arg0: i32) -> (i32, i32) {
    %c0_i32 = arith.constant 0 : i32
    %c0_i32_0 = arith.constant 0 : i32
    %c0_i32_1 = arith.constant 0 : i32
    return %c0_i32, %c0_i32_0 : i32, i32
  }
  func.func @transform_15(%arg0: i32) -> (i32, i32) {
    %c0_i32 = arith.constant 0 : i32
    %c0_i32_0 = arith.constant 0 : i32
    %c0_i32_1 = arith.constant 0 : i32
    return %c0_i32, %c0_i32_0 : i32, i32
  }
  func.func @transform_16(%arg0: i32) -> (i32, i32) {
    %c0_i32 = arith.constant 0 : i32
    %c0_i32_0 = arith.constant 0 : i32
    return %arg0, %c0_i32 : i32, i32
  }
}

</mosaic_0001>

<sc_bundles>
// kernel: kernel.5.cloned.1.call-start
scs
__scs_entry_jumppad:
0x0: {  	(pc) =	sbr.rel $0x88, $3  }
0x1: {  	(tag) =	ssettag $0x0;
	lr =	simm.s32 $0x1  }
0x2: {  	[smem:$0x3F8F] =	sst lr;
	_ =	strace $0xD0000000  }
0x3: {  	_ = 	snop  }
0x4: {  	_ = 	snop  }
0x5: {  	_ = 	snop  }
0x6: {  	_ = 	snop  }
0x7: {  	_ = 	snop  }
__scs_overlays_trampoline_lowered:
0x8: {  	[smem:$0x3F9E] =	sst s0  }
0x9: {  	[smem:$0x3F9F] =	sst s1  }
0xa: {  	[smem:$0x3FA0] =	sst s2  }
0xb: {  	[smem:$0x3FA1] =	sst s3  }
0xc: {  	[smem:$0x3FA2] =	sst s4  }
0xd: {  	[smem:$0x3FA3] =	sst s5  }
0xe: {  	[smem:$0x3FA4] =	sst s6  }
0xf: {  	[smem:$0x3FA5] =	sst s7  }
0x10: {  	[smem:$0x3FA6] =	sst s8  }
0x11: {  	[smem:$0x3FA7] =	sst s9;
	s0 =	simm.s32 @!p0 $0x0  }
0x12: {  	s1 =	sld [smem:$0x3F8D];
	s0 =	simm.s32 @p0 $0x1  }
0x13: {  	[smem:$0x3FA8] =	sst s0;
	s0 =	simm.s32 @!p1 $0x0  }
0x14: {  	s2 =	sld [smem:$0x3F8C];
	s0 =	simm.s32 @p1 $0x1  }
0x15: {  	[smem:$0x3FA9] =	sst s0;
	s0 =	simm.s32 @!p2 $0x0  }
0x16: {  	s3 =	sld [smem:$0x3FDB];
	s0 =	simm.s32 @p2 $0x1  }
0x17: {  	s4 =	simm.s32 $0x1BF5;
	[smem:$0x3FAB] =	sst s0  }
0x18: {  	s0 =	sld [smem:$0x3F8E];
	_ =	swait.ge [sflag:s4], $0x0  }
0x19: {  	s7 =	sld [smem:$0x3F8F]  }
0x1a: {  	s8 =	sadd.s32 $0xFFFFE003, lr  }
0x1b: {  	s9 =	sadd.s32 $0xFFFFFEF7, lr;
	s5 =	simm.s32 $0xFFFFFFFF;
	p2 =	slt.u32 s8, $0xFFFFF086  }
0x1c: {  	p1 =	slt.u32 s9, $0xF7A;
	s5 =	simm.s32 @!p2 $0x0  }
0x1d: {  	s5 =	simm.s32 @p1 $0x1;
	p0 =	seq.s32 s7, s2  }
0x1e: {  	s7 =	smul.u32 @!p0 $0xF7A, s2;
	p2 =	seq.s32 @!p0 s5, $0x0  }
0x1f: {  	s9 =	smul.u32 $0xF7A, s1;
	s8 =	simm.s32 @!p0 $0x1BF5;
	p2 =	por !p2, p0  }
0x20: {  	[sflag:s8] =	ssyncset.s32 @!p0 $0xFFFFF086;
	s6 =	sadd.s32 @!p0 s3, s7;
	s7 =	simm.s32 @!p0 $0x108  }
0x21: {  	s3 =	sadd.s32 s3, s9;
	s6 =	sadd.s32 @!p0 $0x88, s6;
	s7 =	simm.s32 @p2 $0x1082  }
0x22: {  	[simem:s7], [sflag:s8] =	dma.local @!p0 [hbm:s6], $0xF7A  }
0x23: {  	s9 =	sor.u32 $0xD0000000, s2;
	s6 =	simm.s32 $0x108;
	_ =	swait.ge @!p0 [sflag:s8], $0x0  }
0x24: {  	s3 =	sadd.s32 $0x88, s3;
	s6 =	simm.s32 @!p1 $0x1082;
	[sflag:s4] =	ssyncset.s32 $0xFFFFF086  }
0x25: {  	[simem:s6], [sflag:s4] =	dma.local [hbm:s3], $0xF7A  }
0x26: {  	[smem:$0x3F8F] =	sst s1;
	(tag) =	ssettag s2;
	_ =	strace s9  }
0x27: {  	s1 =	sld [smem:$0x3F9F]  }
0x28: {  	s2 =	sld [smem:$0x3FA0]  }
0x29: {  	s4 =	sld [smem:$0x3FA2]  }
0x2a: {  	p0 =	seq.s32 s5, $0x0;
	s5 =	sld [smem:$0x3FA3]  }
0x2b: {  	s6 =	sld [smem:$0x3FA4]  }
0x2c: {  	s7 =	sld [smem:$0x3FA5]  }
0x2d: {  	s3 =	simm.s32 $0x108;
	s8 =	sld [smem:$0x3FA6]  }
0x2e: {  	s3 =	simm.s32 @!p0 $0x1082;
	s9 =	sld [smem:$0x3FA7]  }
0x2f: {  	lr =	sadd.s32 s0, s3;
	s0 =	sld [smem:$0x3F9E]  }
0x30: {  	s3 =	sld [smem:$0x3FA1]  }
0x31: {  	[smem:$0x3FAA] =	sst s10  }
0x32: {  	s10 =	sld [smem:$0x3FA8];
	_ =	sdelay $0x3  }
0x33: {  	p0 =	seq.s32 s10, $0x1;
	s10 =	sld [smem:$0x3FAA];
	_ =	sdelay $0x3  }
0x34: {  	[smem:$0x3FAA] =	sst s10  }
0x35: {  	s10 =	sld [smem:$0x3FA9];
	_ =	sdelay $0x3  }
0x36: {  	p1 =	seq.s32 s10, $0x1;
	s10 =	sld [smem:$0x3FAA];
	_ =	sdelay $0x3  }
0x37: {  	[smem:$0x3FAA] =	sst s10  }
0x38: {  	s10 =	sld [smem:$0x3FAB]  }
0x39: {  	_ = 	snop;
	(pc) =	sbr.ind lr, $3  }
0x3a: {  	_ = 	snop  }
0x3b: {  	_ = 	snop  }
0x3c: {  	p2 =	seq.s32 s10, $0x1;
	s10 =	sld [smem:$0x3FAA]  }
0x3d: {  	_ =	shalt  }
0x3e: {  	_ =	shalt  }
0x3f: {  	_ =	shalt  }
0x40: {  	_ =	shalt  }
0x41: {  	_ =	shalt  }
0x42: {  	_ =	shalt  }
0x43: {  	_ =	shalt  }
0x44: {  	_ =	shalt  }
0x45: {  	_ =	shalt  }
0x46: {  	_ =	shalt  }
0x47: {  	_ =	shalt  }
0x48: {  	_ =	shalt  }
0x49: {  	_ =	shalt  }
0x4a: {  	_ =	shalt  }
0x4b: {  	_ =	shalt  }
0x4c: {  	_ =	shalt  }
0x4d: {  	_ =	shalt  }
0x4e: {  	_ =	shalt  }
0x4f: {  	_ =	shalt  }
0x50: {  	_ =	shalt  }
0x51: {  	_ =	shalt  }
0x52: {  	_ =	shalt  }
0x53: {  	_ =	shalt  }
0x54: {  	_ =	shalt  }
0x55: {  	_ =	shalt  }
0x56: {  	_ =	shalt  }
0x57: {  	_ =	shalt  }
0x58: {  	_ =	shalt  }
0x59: {  	_ =	shalt  }
0x5a: {  	_ =	shalt  }
0x5b: {  	_ =	shalt  }
0x5c: {  	_ =	shalt  }
0x5d: {  	_ =	shalt  }
0x5e: {  	_ =	shalt  }
0x5f: {  	_ =	shalt  }
0x60: {  	_ =	shalt  }
0x61: {  	_ =	shalt  }
0x62: {  	_ =	shalt  }
0x63: {  	_ =	shalt  }
0x64: {  	_ =	shalt  }
0x65: {  	_ =	shalt  }
0x66: {  	_ =	shalt  }
0x67: {  	_ =	shalt  }
0x68: {  	_ =	shalt  }
0x69: {  	_ =	shalt  }
0x6a: {  	_ =	shalt  }
0x6b: {  	_ =	shalt  }
0x6c: {  	_ =	shalt  }
0x6d: {  	_ =	shalt  }
0x6e: {  	_ =	shalt  }
0x6f: {  	_ =	shalt  }
0x70: {  	_ =	shalt  }
0x71: {  	_ =	shalt  }
0x72: {  	_ =	shalt  }
0x73: {  	_ =	shalt  }
0x74: {  	_ =	shalt  }
0x75: {  	_ =	shalt  }
0x76: {  	_ =	shalt  }
0x77: {  	_ =	shalt  }
0x78: {  	_ =	shalt  }
0x79: {  	_ =	shalt  }
0x7a: {  	_ =	shalt  }
0x7b: {  	_ =	shalt  }
0x7c: {  	_ =	shalt  }
0x7d: {  	_ =	shalt  }
0x7e: {  	_ =	shalt  }
0x7f: {  	_ =	shalt  }
0x80: {  	_ =	shalt  }
0x81: {  	_ =	shalt  }
0x82: {  	_ =	shalt  }
0x83: {  	_ =	shalt  }
0x84: {  	_ =	shalt  }
0x85: {  	_ =	shalt  }
0x86: {  	_ =	shalt  }
0x87: {  	_ =	shalt  }
.Lfunc_end0:
.L_simem_size_0:
called_computation_lowered:
.L_overlay_start_0:
0x88: {  	s2 =	sld [smem:$0x3FD9]  }
0x89: {  	s3 =	sld [smem:$0x3FFE];
	_ =	sdelay $0x1  }
0x8a: {  	s1 =	srdreg.scid  }
0x8b: {  	s0 =	sand.u32 $0x1, s1  }
0x8c: {  	s16 =	sshll.u32 s0, $0xA;
	s2 =	sadd.s32 s3, s2  }
0x8d: {  	s2 =	sadd.s32 s2, s16  }
0x8e: {  	[smem:$0x3FB6] =	sst s2  }
0x8f: {  	_ = 	snop  }
0x90: {  	(tm) =	ssettm $0x1  }
0x91: {  	s17 =	sld [smem:$0x3FFB];
	_ =	sdelay $0x3  }
0x92: {  	_ =	strace s17  }
0x93: {  	s2 =	sld [smem:$0x3FFC];
	_ =	sdelay $0x3  }
0x94: {  	_ =	strace s2  }
0x95: {  	s2 =	sld [smem:$0x3FFD];
	_ =	sdelay $0x3  }
0x96: {  	_ =	strace s2  }
0x97: {  	_ =	strace $0x8FFFFFFF  }
0x98: {  	s18 =	sld [smem:$0x3FDB];
	_ =	sdelay $0x1  }
0x99: {  	s19 =	simm.s32 $_scs_section_size  }
0x9a: {  	s4 =	simm.s32 $_size__tile_overlayer_lowered;
	s5 =	simm.s32 $_tile_overlayer_lowered  }
0x9b: {  	s22 =	simm.s32 $0x1BFF;
	s21 =	sshll.u32 s5, $0x1;
	s2 =	sadd.s32 s19, s18  }
0x9c: {  	s6 =	simm.s32 $0x0;
	s20 =	sshll.u32 s4, $0x1;
	s4 =	sadd.s32 s21, s2  }
0x9d: {  	[timem:s6], [sflag:s22] =	dma.local [hbm:s4], s20  }
0x9e: {  	_ =	swait.ge [sflag:s22], s20  }
0x9f: {  	s3 =	ssub.s32 $0x0, s20;
	[sflag:s22] =	ssyncset.done $0x0  }
0xa0: {  	[sflag:s22] =	ssyncadd.s32 s3;
	_ =	sdelay $0x1  }
0xa1: {  	s23 =	simm.s32 $0x1B8B  }
0xa2: {  	_ =	swait.ge [sflag:s23], $0x1  }
0xa3: {  	[sflag:s23] =	ssyncset.done $0x0  }
0xa4: {  	s25 =	simm.s32 $0x1B8E;
	s24 =	sld [smem:$0x3FFE];
	[sflag:s23] =	ssyncadd.s32 $0xFFFFFFFF  }
0xa5: {  	s26 =	simm.s32 $execute0_lowered;
	[smem:$0x3FD2] =	sst s25  }
0xa6: {  	s4 =	sshll.u32 s26, $0x1;
	_ =	strace $0x80000046;
	[dreg:$0x1] =	wrdreg $0xFFFFFFFF  }
0xa7: {  	s28 =	simm.s32 $_size_execute0_lowered;
	s2 =	sadd.s32 s2, s4;
	[dreg:$0x0] =	wrdreg $0x0  }
0xa8: {  	s4 =	sshll.u32 s28, $0x1;
	[dreg:$0x2] =	wrdreg s2  }
0xa9: {  	[dreg:$0x3] =	wrdreg s4  }
0xaa: {  	[dreg:$0x4] =	wrdreg $0xC0  }
0xab: {  	_ =	task [dreg:s6], $0x5FFFF  }
0xac: {  	[dreg:$0x1] =	wrdreg $0xFFFFFFFF  }
0xad: {  	[dreg:$0x0] =	wrdreg $0x60  }
0xae: {  	[dreg:$0x2] =	wrdreg s24  }
0xaf: {  	[dreg:$0x3] =	wrdreg $0x4EC00  }
0xb0: {  	[dreg:$0x4] =	wrdreg $0x9  }
0xb1: {  	_ =	task.clear_ibuf [dreg:s6], $0x5FFFF;
	_ =	strace $0x90000046  }
0xb2: {  	s29 =	simm.s32 $0x9;
	_ =	strace $0x80000048  }
0xb3: {  	_ =	swait.ge [sflag:s29], $0x1  }
0xb4: {  	[sflag:s29] =	ssyncadd.s32 $0xFFFFFFFF  }
0xb5: {  	_ =	strace $0x90000048  }
0xb6: {  	_ =	sfence  }
0xb7: {  	s30 =	sld [smem:$0x0];
	_ =	sdelay $0x2  }
0xb8: {  	s31 =	sshll.u32 s1, $0xD;
	s1 =	sshrl.u32 s1, $0x2  }
0xb9: {  	s3 =	sand.u32 $0x4000, s31;
	s1 =	sadd.s32 s1, s30  }
0xba: {  	s0 =	sor.u32 s3, s0;
	s1 =	sshll.u32 s1, $0x11  }
0xbb: {  	s0 =	sor.u32 s1, s0  }
0xbc: {  	s0 =	sadd.s32 $0x8F2B, s0  }
0xbd: {  	[sflag:s0] =	ssyncadd.remote.s32 $0x1  }
0xbe: {  	_ =	sfence.sel $0xFFFF  }
0xbf: {  	[dreg:$0x0] =	wrdreg $0xFFFFFFFF;
	(pc) =	sbr.abs _section_cstart, $3  }
0xc0: {  	[dreg:$0x1] =	wrdreg $0xFFFFFFFF  }
0xc1: {  	_ =	task.clear_ibuf [dreg:s6], $0x2FFFF;
	_ =	strace $0x9FFFFFFF  }
0xc2: {  	(tm) =	ssettm $0x7FFFFFFF  }
0xc3: {  	_ =	shalt  }
tec
execute0_lowered:
.L_overlay_start_1:
0x0: {  	(tag) =	ssettag $0x1  }
0x1: {  	s4 =	rddreg [dreg:$0x0]  }
0x2: {  	s5 =	rddreg [dreg:$0x1]  }
0x3: {  	s0 =	rddreg [dreg:$0x2];
	s2 =	simm.s32 $0x0;
	s3 =	srdreg.scid  }
0x4: {  	s1 =	stileid.u32;
	s17 =	simm.s32 $0xE0;
	s18 =	simm.s32 $0x0  }
0x5: {  	[smem:$0x7FF] =	sst s2;
	s6 =	smul.u32 $0x16020, s1;
	s8 =	sadd.s32 $0x194A00, s4  }
0x6: {  	s3 =	sand.u32 $0x1, s3;
	s9 =	sadd.s32 $0x180E00, s4;
	s12 =	sadd.s32 $0x16D200, s4  }
0x7: {  	s31 =	sshll.u32 s1, $0x6;
	s7 =	smul.u32 $0x160200, s3;
	s10 =	sshll.u32 s3, $0x4  }
0x8: {  	_ =	strace $0x80000047;
	s11 =	ssub.s32 $0x2, s3;
	s10 =	sor.u32 s1, s10  }
0x9: {  	s3 =	sadd.s32 $0x1A8600, s4;
	s7 =	sadd.s32 s6, s7;
	s13 =	smul.u32 $0x4EC0, s10  }
0xa: {  	s28 =	sshrl.u32 s11, $0x1;
	s29 =	smul.u32 $0x9D8, s10;
	s7 =	sshrl.u32 s7, $0x3  }
0xb: {  	s16 =	sadd.s32 s6, s5;
	s15 =	ssub.s32 s11, s28;
	s14 =	sadd.s32 s7, s4  }
0xc: {  	s30 =	sshrl.u32 s13, $0x3;
	s4 =	sor.u32 $0x1C01, s31;
	s5 =	sadd.s32 s8, s29  }
0xd: {  	s11 =	sadd.s32 s12, s29;
	s13 =	sadd.s32 $0x1C, s30;
	s7 =	sadd.s32 $0x1AB400, s14  }
0xe: {  	s10 =	sadd.s32 $0x203480, s14;
	s6 =	sadd.s32 s8, s13;
	s8 =	sadd.s32 s9, s29  }
0xf: {  	s9 =	sadd.s32 s9, s13;
	s12 =	sadd.s32 s12, s13;
	s13 =	sadd.s32 $0x25B500, s14  }
0x10: {  	s14 =	smax.u32 s15, $0x1;
	s15 =	sshrl.u32 s16, $0x3;
	s16 =	simm.s32 $0x1  }
.LBB2_1:
0x11: {  	[spmem:s15], [sflag:s4] =	dma.local [hbm:s3], $0x2C04  }
0x12: {  	_ =	swait.ge [sflag:s16], $0x2C04  }
0x13: {  	[sflag:s16] =	ssyncset.done $0x0  }
0x14: {  	[sflag:s16] =	ssyncadd.s32 $0xFFFFD3FC  }
0x15: {  	[bflag:$0x0] =	sbarrier.arrive $0xFFFF  }
0x16: {  	[tilespmem:s2], [sflag:$0x1] =	stream.linear.gather [hbm4b:s5+s2], $0xE0, $0x38;
	[tilespmem:$0x1AEE0] =	vst v63  }
0x17: {  	_ =	swait.ge [sflag:s16], $0xE0  }
0x18: {  	[sflag:s16] =	ssyncset.done $0x0  }
0x19: {  	[sflag:s16] =	ssyncadd.s32 $0xFFFFFF20  }
0x1a: {  	[tilespmem:s17], [sflag:$0x1] =	stream.linear.gather [hbm4b:s6+s2], $0xE0, $0x38;
	[tilespmem:$0x1AEE0] =	vst v63  }
0x1b: {  	_ =	swait.ge [sflag:s16], $0xE0  }
0x1c: {  	[sflag:s16] =	ssyncset.done $0x0  }
0x1d: {  	s19 =	simm.s32 $0x0;
	[sflag:s16] =	ssyncadd.s32 $0xFFFFFF20  }
.LBB2_2:
0x1e: {  	s21 =	simm.s32 $0x1E0  }
0x1f: {  	v0 =	vld [tilespmem:s21+$0xFFFFFFE0];
	_ =	sdelay $0x3  }
0x20: {  	s20 =	simm.s32 $0x1160  }
0x21: {  	[tilespmem:s20+$0xFFFFFEE0] =	vst v0  }
0x22: {  	v0 =	vld [tilespmem:s21+$0xFFFFFFF0];
	_ =	sdelay $0x4  }
0x23: {  	[tilespmem:s20+$0xFFFFFF70] =	vst v0  }
0x24: {  	v0 =	vld [tilespmem:s21+$0x0];
	_ =	sdelay $0x4  }
0x25: {  	[tilespmem:s20+$0x0] =	vst v0  }
0x26: {  	v0 =	vld [tilespmem:s21+$0x10];
	_ =	sdelay $0x3  }
0x27: {  	s22 =	simm.s32 $0x0  }
0x28: {  	s23 =	simm.s32 $0x220;
	s24 =	simm.s32 $0x1160;
	s21 =	simm.s32 $0x8E0;
	[tilespmem:s20+$0x90] =	vst v0  }
.LBB2_3:
0x29: {  	v0 =	vld [tilespmem:s23+$0xFFFFFFE0];
	s22 =	sadd.s32 $0x4, s22  }
0x2a: {  	p0 =	slt.u32 s22, $0x6C;
	_ =	sdelay $0x2  }
0x2b: {  	s24 =	sadd.s32 $0x240, s24  }
0x2c: {  	[tilespmem:s24+$0xFFFFFEE0] =	vst v0  }
0x2d: {  	v0 =	vld [tilespmem:s23+$0xFFFFFFF0];
	_ =	sdelay $0x4  }
0x2e: {  	[tilespmem:s24+$0xFFFFFF70] =	vst v0  }
0x2f: {  	v0 =	vld [tilespmem:s23+$0x0];
	_ =	sdelay $0x4  }
0x30: {  	[tilespmem:s24+$0x0] =	vst v0  }
0x31: {  	v0 =	vld [tilespmem:s23+$0x10]  }
.Ltmp0:
0x32: {  	(pc) =	sbr.rel @p0 .LBB2_3-.Ltmp0, $2  }
0x33: {  	_ =	sdelay $0x2  }
0x34: {  	s23 =	sadd.s32 $0x40, s23;
	[tilespmem:s24+$0x90] =	vst v0  }
0x35: {  	v0 =	vld [tilespmem:s21+$0xFFFFFFE0];
	_ =	sdelay $0x4  }
0x36: {  	[tilespmem:s20+$0xFFFFFEE0] =	vst v0  }
0x37: {  	v0 =	vld [tilespmem:s21+$0xFFFFFFF0];
	_ =	sdelay $0x4  }
0x38: {  	[tilespmem:s20+$0xFFFFFF70] =	vst v0  }
0x39: {  	v0 =	vld [tilespmem:s21+$0x0];
	_ =	sdelay $0x4  }
0x3a: {  	[tilespmem:s20+$0x0] =	vst v0  }
0x3b: {  	v0 =	vld [tilespmem:s21+$0x10];
	_ =	sdelay $0x4  }
0x3c: {  	s22 =	simm.s32 $0x920;
	s21 =	simm.s32 $0x0;
	[tilespmem:s20+$0x90] =	vst v0  }
.LBB2_5:
0x3d: {  	v0 =	vld [tilespmem:s22+$0xFFFFFFE0];
	s21 =	sadd.s32 $0x4, s21  }
0x3e: {  	p0 =	slt.u32 s21, $0x6C;
	_ =	sdelay $0x2  }
0x3f: {  	s20 =	sadd.s32 $0x240, s20  }
0x40: {  	[tilespmem:s20+$0xFFFFFEE0] =	vst v0  }
0x41: {  	v0 =	vld [tilespmem:s22+$0xFFFFFFF0];
	_ =	sdelay $0x4  }
0x42: {  	[tilespmem:s20+$0xFFFFFF70] =	vst v0  }
0x43: {  	v0 =	vld [tilespmem:s22+$0x0];
	_ =	sdelay $0x4  }
0x44: {  	[tilespmem:s20+$0x0] =	vst v0  }
0x45: {  	v0 =	vld [tilespmem:s22+$0x10]  }
.Ltmp1:
0x46: {  	(pc) =	sbr.rel @p0 .LBB2_5-.Ltmp1, $2  }
0x47: {  	_ =	sdelay $0x2  }
0x48: {  	s22 =	sadd.s32 $0x40, s22;
	[tilespmem:s20+$0x90] =	vst v0  }
0x49: {  	s19 =	sadd.s32 $0x1, s19  }
0x4a: {  	p0 =	sne.s32 s19, $0x2D  }
.Ltmp2:
0x4b: {  	_ = 	snop;
	(pc) =	sbr.rel @p0 .LBB2_2-.Ltmp2, $1  }
0x4c: {  	_ =	sdelay $0x3  }
0x4d: {  	[bflag:$0x0] =	sbarrier.arrive $0xFFFF  }
0x4e: {  	[hbm:s7], [sflag:s4] =	dma.local [spmem:s15], $0x2C04  }
0x4f: {  	_ =	swait.ge [sflag:s16], $0x2C04  }
0x50: {  	[sflag:s16] =	ssyncset.done $0x0  }
0x51: {  	[sflag:s16] =	ssyncadd.s32 $0xFFFFD3FC  }
0x52: {  	[bflag:$0x0] =	sbarrier.arrive $0xFFFF  }
0x53: {  	[spmem:s15], [sflag:s4] =	dma.local [hbm:s3], $0x2C04  }
0x54: {  	_ =	swait.ge [sflag:s16], $0x2C04  }
0x55: {  	[sflag:s16] =	ssyncset.done $0x0  }
0x56: {  	[sflag:s16] =	ssyncadd.s32 $0xFFFFD3FC  }
0x57: {  	s19 =	simm.s32 $0x0;
	[bflag:$0x0] =	sbarrier.arrive $0xFFFF  }
0x58: {  	[tilespmem:s19], [sflag:$0x1] =	stream.linear.gather [hbm4b:s8+s19], $0xE0, $0x38;
	[tilespmem:$0x1AEE0] =	vst v63  }
0x59: {  	_ =	swait.ge [sflag:s16], $0xE0  }
0x5a: {  	[sflag:s16] =	ssyncset.done $0x0  }
0x5b: {  	[sflag:s16] =	ssyncadd.s32 $0xFFFFFF20  }
0x5c: {  	[tilespmem:s17], [sflag:$0x1] =	stream.linear.gather [hbm4b:s9+s19], $0xE0, $0x38;
	[tilespmem:$0x1AEE0] =	vst v63  }
0x5d: {  	_ =	swait.ge [sflag:s16], $0xE0  }
0x5e: {  	[sflag:s16] =	ssyncset.done $0x0  }
0x5f: {  	[sflag:s16] =	ssyncadd.s32 $0xFFFFFF20  }
.LBB2_8:
0x60: {  	s21 =	simm.s32 $0x1E0  }
0x61: {  	v0 =	vld [tilespmem:s21+$0xFFFFFFE0];
	_ =	sdelay $0x3  }
0x62: {  	s20 =	simm.s32 $0x1160  }
0x63: {  	[tilespmem:s20+$0xFFFFFEE0] =	vst v0  }
0x64: {  	v0 =	vld [tilespmem:s21+$0xFFFFFFF0];
	_ =	sdelay $0x4  }
0x65: {  	[tilespmem:s20+$0xFFFFFF70] =	vst v0  }
0x66: {  	v0 =	vld [tilespmem:s21+$0x0];
	_ =	sdelay $0x4  }
0x67: {  	[tilespmem:s20+$0x0] =	vst v0  }
0x68: {  	v0 =	vld [tilespmem:s21+$0x10];
	_ =	sdelay $0x4  }
0x69: {  	s22 =	simm.s32 $0x220;
	s23 =	simm.s32 $0x1160;
	s21 =	simm.s32 $0x0;
	[tilespmem:s20+$0x90] =	vst v0  }
.LBB2_9:
0x6a: {  	v0 =	vld [tilespmem:s22+$0xFFFFFFE0];
	s21 =	sadd.s32 $0x4, s21  }
0x6b: {  	p0 =	slt.u32 s21, $0x6C;
	_ =	sdelay $0x2  }
0x6c: {  	s23 =	sadd.s32 $0x240, s23  }
0x6d: {  	[tilespmem:s23+$0xFFFFFEE0] =	vst v0  }
0x6e: {  	v0 =	vld [tilespmem:s22+$0xFFFFFFF0];
	_ =	sdelay $0x4  }
0x6f: {  	[tilespmem:s23+$0xFFFFFF70] =	vst v0  }
0x70: {  	v0 =	vld [tilespmem:s22+$0x0];
	_ =	sdelay $0x4  }
0x71: {  	[tilespmem:s23+$0x0] =	vst v0  }
0x72: {  	v0 =	vld [tilespmem:s22+$0x10]  }
.Ltmp3:
0x73: {  	(pc) =	sbr.rel @p0 .LBB2_9-.Ltmp3, $2  }
0x74: {  	_ =	sdelay $0x2  }
0x75: {  	s24 =	simm.s32 $0x8E0;
	s22 =	sadd.s32 $0x40, s22;
	[tilespmem:s23+$0x90] =	vst v0  }
0x76: {  	v0 =	vld [tilespmem:s24+$0xFFFFFFE0];
	_ =	sdelay $0x4  }
0x77: {  	[tilespmem:s20+$0xFFFFFEE0] =	vst v0  }
0x78: {  	v0 =	vld [tilespmem:s24+$0xFFFFFFF0];
	_ =	sdelay $0x4  }
0x79: {  	[tilespmem:s20+$0xFFFFFF70] =	vst v0  }
0x7a: {  	v0 =	vld [tilespmem:s24+$0x0];
	_ =	sdelay $0x4  }
0x7b: {  	[tilespmem:s20+$0x0] =	vst v0  }
0x7c: {  	v0 =	vld [tilespmem:s24+$0x10];
	_ =	sdelay $0x4  }
0x7d: {  	s21 =	simm.s32 $0x0;
	s22 =	simm.s32 $0x920;
	[tilespmem:s20+$0x90] =	vst v0  }
.LBB2_11:
0x7e: {  	v0 =	vld [tilespmem:s22+$0xFFFFFFE0];
	s21 =	sadd.s32 $0x4, s21  }
0x7f: {  	p0 =	slt.u32 s21, $0x6C;
	_ =	sdelay $0x2  }
0x80: {  	s20 =	sadd.s32 $0x240, s20  }
0x81: {  	[tilespmem:s20+$0xFFFFFEE0] =	vst v0  }
0x82: {  	v0 =	vld [tilespmem:s22+$0xFFFFFFF0];
	_ =	sdelay $0x4  }
0x83: {  	[tilespmem:s20+$0xFFFFFF70] =	vst v0  }
0x84: {  	v0 =	vld [tilespmem:s22+$0x0];
	_ =	sdelay $0x4  }
0x85: {  	[tilespmem:s20+$0x0] =	vst v0  }
0x86: {  	v0 =	vld [tilespmem:s22+$0x10]  }
.Ltmp4:
0x87: {  	(pc) =	sbr.rel @p0 .LBB2_11-.Ltmp4, $2  }
0x88: {  	_ =	sdelay $0x2  }
0x89: {  	s22 =	sadd.s32 $0x40, s22;
	[tilespmem:s20+$0x90] =	vst v0  }
0x8a: {  	s19 =	sadd.s32 $0x1, s19  }
0x8b: {  	p0 =	sne.s32 s19, $0x2D  }
.Ltmp5:
0x8c: {  	_ = 	snop;
	(pc) =	sbr.rel @p0 .LBB2_8-.Ltmp5, $1  }
0x8d: {  	_ =	sdelay $0x3  }
0x8e: {  	[bflag:$0x0] =	sbarrier.arrive $0xFFFF  }
0x8f: {  	[hbm:s10], [sflag:s4] =	dma.local [spmem:s15], $0x2C04  }
0x90: {  	_ =	swait.ge [sflag:s16], $0x2C04  }
0x91: {  	[sflag:s16] =	ssyncset.done $0x0  }
0x92: {  	[sflag:s16] =	ssyncadd.s32 $0xFFFFD3FC  }
0x93: {  	[bflag:$0x0] =	sbarrier.arrive $0xFFFF  }
0x94: {  	[spmem:s15], [sflag:s4] =	dma.local [hbm:s3], $0x2C04  }
0x95: {  	_ =	swait.ge [sflag:s16], $0x2C04  }
0x96: {  	[sflag:s16] =	ssyncset.done $0x0  }
0x97: {  	[sflag:s16] =	ssyncadd.s32 $0xFFFFD3FC  }
0x98: {  	s19 =	simm.s32 $0x0;
	[bflag:$0x0] =	sbarrier.arrive $0xFFFF  }
0x99: {  	[tilespmem:s19], [sflag:$0x1] =	stream.linear.gather [hbm4b:s11+s19], $0xE0, $0x38;
	[tilespmem:$0x1AEE0] =	vst v63  }
0x9a: {  	_ =	swait.ge [sflag:s16], $0xE0  }
0x9b: {  	[sflag:s16] =	ssyncset.done $0x0  }
0x9c: {  	[sflag:s16] =	ssyncadd.s32 $0xFFFFFF20  }
0x9d: {  	[tilespmem:s17], [sflag:$0x1] =	stream.linear.gather [hbm4b:s12+s19], $0xE0, $0x38;
	[tilespmem:$0x1AEE0] =	vst v63  }
0x9e: {  	_ =	swait.ge [sflag:s16], $0xE0  }
0x9f: {  	[sflag:s16] =	ssyncset.done $0x0  }
0xa0: {  	[sflag:s16] =	ssyncadd.s32 $0xFFFFFF20  }
.LBB2_14:
0xa1: {  	s21 =	simm.s32 $0x1E0  }
0xa2: {  	v0 =	vld [tilespmem:s21+$0xFFFFFFE0];
	_ =	sdelay $0x3  }
0xa3: {  	s20 =	simm.s32 $0x1160  }
0xa4: {  	[tilespmem:s20+$0xFFFFFEE0] =	vst v0  }
0xa5: {  	v0 =	vld [tilespmem:s21+$0xFFFFFFF0];
	_ =	sdelay $0x4  }
0xa6: {  	[tilespmem:s20+$0xFFFFFF70] =	vst v0  }
0xa7: {  	v0 =	vld [tilespmem:s21+$0x0];
	_ =	sdelay $0x4  }
0xa8: {  	[tilespmem:s20+$0x0] =	vst v0  }
0xa9: {  	v0 =	vld [tilespmem:s21+$0x10];
	_ =	sdelay $0x4  }
0xaa: {  	s22 =	simm.s32 $0x220;
	s23 =	simm.s32 $0x1160;
	s21 =	simm.s32 $0x0;
	[tilespmem:s20+$0x90] =	vst v0  }
.LBB2_15:
0xab: {  	v0 =	vld [tilespmem:s22+$0xFFFFFFE0];
	s21 =	sadd.s32 $0x4, s21  }
0xac: {  	p0 =	slt.u32 s21, $0x6C;
	_ =	sdelay $0x2  }
0xad: {  	s23 =	sadd.s32 $0x240, s23  }
0xae: {  	[tilespmem:s23+$0xFFFFFEE0] =	vst v0  }
0xaf: {  	v0 =	vld [tilespmem:s22+$0xFFFFFFF0];
	_ =	sdelay $0x4  }
0xb0: {  	[tilespmem:s23+$0xFFFFFF70] =	vst v0  }
0xb1: {  	v0 =	vld [tilespmem:s22+$0x0];
	_ =	sdelay $0x4  }
0xb2: {  	[tilespmem:s23+$0x0] =	vst v0  }
0xb3: {  	v0 =	vld [tilespmem:s22+$0x10]  }
.Ltmp6:
0xb4: {  	(pc) =	sbr.rel @p0 .LBB2_15-.Ltmp6, $2  }
0xb5: {  	_ =	sdelay $0x2  }
0xb6: {  	s24 =	simm.s32 $0x8E0;
	s22 =	sadd.s32 $0x40, s22;
	[tilespmem:s23+$0x90] =	vst v0  }
0xb7: {  	v0 =	vld [tilespmem:s24+$0xFFFFFFE0];
	_ =	sdelay $0x4  }
0xb8: {  	[tilespmem:s20+$0xFFFFFEE0] =	vst v0  }
0xb9: {  	v0 =	vld [tilespmem:s24+$0xFFFFFFF0];
	_ =	sdelay $0x4  }
0xba: {  	[tilespmem:s20+$0xFFFFFF70] =	vst v0  }
0xbb: {  	v0 =	vld [tilespmem:s24+$0x0];
	_ =	sdelay $0x4  }
0xbc: {  	[tilespmem:s20+$0x0] =	vst v0  }
0xbd: {  	v0 =	vld [tilespmem:s24+$0x10];
	_ =	sdelay $0x4  }
0xbe: {  	s21 =	simm.s32 $0x0;
	s22 =	simm.s32 $0x920;
	[tilespmem:s20+$0x90] =	vst v0  }
.LBB2_17:
0xbf: {  	v0 =	vld [tilespmem:s22+$0xFFFFFFE0];
	s21 =	sadd.s32 $0x4, s21  }
0xc0: {  	p0 =	slt.u32 s21, $0x6C;
	_ =	sdelay $0x2  }
0xc1: {  	s20 =	sadd.s32 $0x240, s20  }
0xc2: {  	[tilespmem:s20+$0xFFFFFEE0] =	vst v0  }
0xc3: {  	v0 =	vld [tilespmem:s22+$0xFFFFFFF0];
	_ =	sdelay $0x4  }
0xc4: {  	[tilespmem:s20+$0xFFFFFF70] =	vst v0  }
0xc5: {  	v0 =	vld [tilespmem:s22+$0x0];
	_ =	sdelay $0x4  }
0xc6: {  	[tilespmem:s20+$0x0] =	vst v0  }
0xc7: {  	v0 =	vld [tilespmem:s22+$0x10]  }
.Ltmp7:
0xc8: {  	(pc) =	sbr.rel @p0 .LBB2_17-.Ltmp7, $2  }
0xc9: {  	_ =	sdelay $0x2  }
0xca: {  	s22 =	sadd.s32 $0x40, s22;
	[tilespmem:s20+$0x90] =	vst v0  }
0xcb: {  	s19 =	sadd.s32 $0x1, s19  }
0xcc: {  	p0 =	sne.s32 s19, $0x2D  }
.Ltmp8:
0xcd: {  	_ = 	snop;
	(pc) =	sbr.rel @p0 .LBB2_14-.Ltmp8, $1  }
0xce: {  	_ =	sdelay $0x3  }
0xcf: {  	[bflag:$0x0] =	sbarrier.arrive $0xFFFF;
	s18 =	sadd.s32 $0x1, s18  }
0xd0: {  	[hbm:s13], [sflag:s4] =	dma.local [spmem:s15], $0x2C04  }
0xd1: {  	p0 =	sne.s32 s18, s14  }
.Ltmp9:
0xd2: {  	_ =	swait.ge [sflag:s16], $0x2C04;
	(pc) =	sbr.rel @p0 .LBB2_1-.Ltmp9, $3  }
0xd3: {  	[sflag:s16] =	ssyncset.done $0x0  }
0xd4: {  	[sflag:s16] =	ssyncadd.s32 $0xFFFFD3FC  }
0xd5: {  	[bflag:$0x0] =	sbarrier.arrive $0xFFFF;
	_ =	sdelay $0x1  }
0xd6: {  	_ =	sfence.sel $0x180000  }
0xd7: {  	[bflag:$0x0] =	sbarrier.arrive $0xFFFF  }
0xd8: {  	p0 =	sne.s32 s1, $0x0;
	_ =	strace $0x90000047  }
0xd9: {  	s0 =	sadd.s32 @!p0 $0x100000, s0;
	[bflag:$0x2] =	sbarrier.arrive $0xFFFF  }
0xda: {  	[sflag:s0] =	ssyncadd.tile.s32 @!p0 $0x1;
	_ =	shalt  }
.Lfunc_end2:
_tile_overlayer_lowered:
.L_overlay_start_2:
0xdb: {  	(tag) =	ssettag $0x2  }
0xdc: {  	s0 =	rddreg [dreg:$0x0];
	s2 =	stileid.u32  }
0xdd: {  	s1 =	rddreg [dreg:$0x1];
	p0 =	sne.s32 s2, $0x0  }
0xde: {  	s3 =	rddreg [dreg:$0x2];
	[bflag:$0x3] =	sbarrier.arrive $0xFFFF;
	s2 =	simm.s32 @!p0 $0x1C01  }
0xdf: {  	[timem:s3], [sflag:s2] =	dma.local @!p0 [hbm:s0], s1  }
0xe0: {  	s0 =	simm.s32 @!p0 $0x1  }
0xe1: {  	_ =	swait.ge @!p0 [sflag:s0], s1  }
0xe2: {  	s1 =	ssub.s32 @!p0 $0x0, s1;
	[sflag:s0] =	ssyncset.done @!p0 $0x0  }
0xe3: {  	[sflag:s0] =	ssyncadd.s32 @!p0 s1  }
0xe4: {  	[bflag:$0x3] =	sbarrier.arrive $0xFFFF  }
0xe5: {  	_ =	shalt  }

</sc_bundles>
